<compile_context>
chip_gen: v7x
topology: tpu7x:2x2x1
jax: 0.10.2.dev20260603
libtpu: 0.0.44.dev20260713+nightly
codegen_flags: <defaults>
</compile_context>

<pallas_src>
import functools
import jax
import jax.numpy as jnp
from jax import lax
from jax.experimental import pallas as pl
from jax.experimental.pallas import tpu as pltpu
from jax.experimental.pallas import tpu_sc as plsc

BATCH = 16384
EMB = 32
NUM_CORES = 2
NUM_SUBCORES = 16
NUM_WORKERS = NUM_CORES * NUM_SUBCORES
BPW = BATCH // NUM_WORKERS
CH = 256
NCH = BPW // CH


def _mf_body(u_hbm, v_hbm, ue_hbm, ie_hbm, out_hbm,
             uidx, vidx, spu, spv, usm, vsm, spur, spvr,
             urows, vrows, outb, sem):
    sid = lax.axis_index("s")
    wid = sid * NUM_CORES + lax.axis_index("c")
    base = wid * BPW

    pltpu.sync_copy(u_hbm.at[wid], uidx)
    pltpu.sync_copy(v_hbm.at[wid], vidx)
    pltpu.sync_copy(u_hbm.at[wid], spu.at[sid])
    pltpu.sync_copy(v_hbm.at[wid], spv.at[sid])
    pltpu.sync_copy(spu.at[sid], usm)
    pltpu.sync_copy(spv.at[sid], vsm)

    riota = lax.iota(jnp.int32, 16)

    def chunk(h, carry):
        def fetch(i, c2):
            for j in range(4):
                r = i * 4 + j
                g = h * CH + r
                pltpu.async_copy(ue_hbm.at[pl.ds(usm[g], 1)],
                                 spur.at[sid, pl.ds(r, 1)], sem)
                pltpu.async_copy(ie_hbm.at[pl.ds(vsm[g], 1)],
                                 spvr.at[sid, pl.ds(r, 1)], sem)
            return c2

        lax.fori_loop(0, CH // 4, fetch, 0)

        pltpu.make_async_copy(ue_hbm.at[pl.ds(0, CH)], spur.at[sid], sem).wait()
        pltpu.make_async_copy(ie_hbm.at[pl.ds(0, CH)], spvr.at[sid], sem).wait()

        pltpu.sync_copy(spur.at[sid], urows)
        pltpu.sync_copy(spvr.at[sid], vrows)

        def body(i, c2):
            rows16 = i * 16 + riota
            acc = jnp.zeros((16,), jnp.float32)
            for c in range(EMB):
                cvec = jnp.full((16,), c, jnp.int32)
                uc = plsc.load_gather(urows, [rows16, cvec])
                vc = plsc.load_gather(vrows, [rows16, cvec])
                acc = acc + uc * vc
            outb[pl.ds(pl.multiple_of(h * CH + i * 16, 16), 16)] = acc
            return c2

        lax.fori_loop(0, CH // 16, body, 0)
        return carry

    lax.fori_loop(0, NCH, chunk, 0)

    pltpu.sync_copy(outb, out_hbm.at[pl.ds(base, BPW)])


_mf_kernel = functools.partial(
    pl.kernel,
    mesh=plsc.VectorSubcoreMesh(core_axis_name="c", subcore_axis_name="s"),
    out_type=jax.ShapeDtypeStruct((BATCH,), jnp.float32),
    scratch_types=[
        pltpu.VMEM((BPW,), jnp.int32),
        pltpu.VMEM((BPW,), jnp.int32),
        pltpu.VMEM_SHARED((NUM_SUBCORES, BPW), jnp.int32),
        pltpu.VMEM_SHARED((NUM_SUBCORES, BPW), jnp.int32),
        pltpu.SMEM((BPW,), jnp.int32),
        pltpu.SMEM((BPW,), jnp.int32),
        pltpu.VMEM_SHARED((NUM_SUBCORES, CH, EMB), jnp.float32),
        pltpu.VMEM_SHARED((NUM_SUBCORES, CH, EMB), jnp.float32),
        pltpu.VMEM((CH, EMB), jnp.float32),
        pltpu.VMEM((CH, EMB), jnp.float32),
        pltpu.VMEM((BPW,), jnp.float32),
        pltpu.SemaphoreType.DMA,
    ],
    compiler_params=pltpu.CompilerParams(needs_layout_passes=False),
)(_mf_body)


@jax.jit
def kernel(u, v, user_emb, item_emb):
    u2 = u.astype(jnp.int32).reshape(NUM_WORKERS, BPW)
    v2 = v.astype(jnp.int32).reshape(NUM_WORKERS, BPW)
    return _mf_kernel(u2, v2, user_emb, item_emb)

# --- scband reference (transcript-rebuilt; emitter-appended) ---
"""Pipeline reference for scband-mf-13958643712855 (READ-ONLY COPY).

The authoritative reference and input builder live on the scoring server;
editing this copy changes nothing except your own understanding.
"""

import jax, jax.numpy as jnp
import numpy as np

NUM_USERS = 1000000
NUM_ITEMS = 1000000
EMB_SIZE = 32
BATCH = 16384


def setup_inputs(seed: int = 0) -> dict:
    key = jax.random.key(seed)
    k_u, k_v, k_ue, k_ie = jax.random.split(key, 4)
    u = jax.random.randint(k_u, (BATCH,), 0, NUM_USERS, dtype=jnp.int64 if jax.config.read('jax_enable_x64') else jnp.int32)
    v = jax.random.randint(k_v, (BATCH,), 0, NUM_ITEMS, dtype=jnp.int64 if jax.config.read('jax_enable_x64') else jnp.int32)
    user_emb = jax.random.uniform(k_ue, (NUM_USERS, EMB_SIZE), dtype=jnp.float32, minval=0.0, maxval=0.5)
    item_emb = jax.random.uniform(k_ie, (NUM_ITEMS, EMB_SIZE), dtype=jnp.float32, minval=0.0, maxval=0.5)
    return {"u": u, "v": v, "user_emb": user_emb, "item_emb": item_emb}


def reference(u, v, user_emb, item_emb):
    # MF.forward: gather user/item embeddings, elementwise product, sum over emb dim
    ue = jnp.take(user_emb, u, axis=0)   # [B, emb]
    ve = jnp.take(item_emb, v, axis=0)   # [B, emb]
    return (ue * ve).sum(axis=1)         # [B]

if __name__ == "__main__":
    import jax
    _d = setup_inputs()
    print(jax.jit(kernel)(*tuple(_d.values())))

</pallas_src>

<mosaic_0001>
#map = affine_map<(d0, d1) -> (0, 0)>
#map1 = affine_map<(d0, d1) -> (0)>
module attributes {stable_mosaic.version = 14 : i64} {
  func.func @_mf_body(%arg0: i32, %arg1: i32, %arg2: memref<32x512xi32, #tpu.memory_space<hbm>>, %arg3: memref<32x512xi32, #tpu.memory_space<hbm>>, %arg4: memref<1000000x32xf32, #tpu.memory_space<hbm>>, %arg5: memref<1000000x32xf32, #tpu.memory_space<hbm>>, %arg6: memref<16384xf32, #tpu.memory_space<hbm>>, %arg7: memref<512xi32, #tpu.memory_space<vmem>>, %arg8: memref<512xi32, #tpu.memory_space<vmem>>, %arg9: memref<16x512xi32, #tpu.memory_space<vmem_shared>>, %arg10: memref<16x512xi32, #tpu.memory_space<vmem_shared>>, %arg11: memref<512xi32, #tpu.memory_space<smem>>, %arg12: memref<512xi32, #tpu.memory_space<smem>>, %arg13: memref<16x256x32xf32, #tpu.memory_space<vmem_shared>>, %arg14: memref<16x256x32xf32, #tpu.memory_space<vmem_shared>>, %arg15: memref<256x32xf32, #tpu.memory_space<vmem>>, %arg16: memref<256x32xf32, #tpu.memory_space<vmem>>, %arg17: memref<512xf32, #tpu.memory_space<vmem>>, %arg18: memref<!tpu.dma_semaphore, #tpu.memory_space<semaphore_mem>>) attributes {dimension_semantics = [#tpu.dimension_semantics<core_parallel>, #tpu.dimension_semantics<subcore_parallel>], iteration_bounds = array<i64: 2, 16>, scalar_prefetch = 0 : i64, scratch_operands = 12 : i64, tpu.core_type = #tpu.core_type<sc_vector_subcore>, window_params = [{transform_indices = #map}, {transform_indices = #map}, {transform_indices = #map}, {transform_indices = #map}, {transform_indices = #map1}]} {
    %mul3A = arith.constant 2 : i32
    %mul3A_0 = arith.muli %arg1, %mul3A : i32
    %add3A = arith.addi %mul3A_0, %arg0 : i32
    %mul3A_1 = arith.constant 512 : i32
    %mul3A_2 = arith.muli %add3A, %mul3A_1 : i32
    "tpu.region"() ({
      %run_scoped3A = tpu.sem_alloc : memref<!tpu.dma_semaphore, #tpu.memory_space<semaphore_mem>>
      %dma_start3A = arith.constant 0 : i32
      %dma_start3A_8 = tpu.memref_slice %arg2[%add3A, %dma_start3A] : memref<32x512xi32, #tpu.memory_space<hbm>> -> memref<1x512xi32, #tpu.memory_space<hbm>>
      %dma_start3A_9 = tpu.memref_squeeze %dma_start3A_8 : memref<1x512xi32, #tpu.memory_space<hbm>> -> memref<512xi32, #tpu.memory_space<hbm>>
      %dma_start3A_10 = arith.constant 0 : i32
      %dma_start3A_11 = tpu.memref_slice %arg2[%add3A, %dma_start3A_10] : memref<32x512xi32, #tpu.memory_space<hbm>> -> memref<1x512xi32, #tpu.memory_space<hbm>>
      %dma_start3A_12 = tpu.memref_squeeze %dma_start3A_11 : memref<1x512xi32, #tpu.memory_space<hbm>> -> memref<512xi32, #tpu.memory_space<hbm>>
      tpu.enqueue_dma source(%dma_start3A_12 : memref<512xi32, #tpu.memory_space<hbm>>) target(%arg7 : memref<512xi32, #tpu.memory_space<vmem>>) target_semaphore(%run_scoped3A : memref<!tpu.dma_semaphore, #tpu.memory_space<semaphore_mem>>)
      %dma_wait3A = arith.constant 0 : i32
      %dma_wait3A_13 = tpu.memref_slice %arg2[%add3A, %dma_wait3A] : memref<32x512xi32, #tpu.memory_space<hbm>> -> memref<1x512xi32, #tpu.memory_space<hbm>>
      %dma_wait3A_14 = tpu.memref_squeeze %dma_wait3A_13 : memref<1x512xi32, #tpu.memory_space<hbm>> -> memref<512xi32, #tpu.memory_space<hbm>>
      %dma_wait3A_15 = arith.constant 0 : i32
      %dma_wait3A_16 = tpu.memref_slice %arg2[%add3A, %dma_wait3A_15] : memref<32x512xi32, #tpu.memory_space<hbm>> -> memref<1x512xi32, #tpu.memory_space<hbm>>
      %dma_wait3A_17 = tpu.memref_squeeze %dma_wait3A_16 : memref<1x512xi32, #tpu.memory_space<hbm>> -> memref<512xi32, #tpu.memory_space<hbm>>
      tpu.wait_dma2 semaphore(%run_scoped3A : memref<!tpu.dma_semaphore, #tpu.memory_space<semaphore_mem>>) src(%dma_wait3A_17 : memref<512xi32, #tpu.memory_space<hbm>>) dst(%arg7 : memref<512xi32, #tpu.memory_space<vmem>>)
      tpu.yield
    }) : () -> ()
    "tpu.region"() ({
      %run_scoped3A = tpu.sem_alloc : memref<!tpu.dma_semaphore, #tpu.memory_space<semaphore_mem>>
      %dma_start3A = arith.constant 0 : i32
      %dma_start3A_8 = tpu.memref_slice %arg3[%add3A, %dma_start3A] : memref<32x512xi32, #tpu.memory_space<hbm>> -> memref<1x512xi32, #tpu.memory_space<hbm>>
      %dma_start3A_9 = tpu.memref_squeeze %dma_start3A_8 : memref<1x512xi32, #tpu.memory_space<hbm>> -> memref<512xi32, #tpu.memory_space<hbm>>
      %dma_start3A_10 = arith.constant 0 : i32
      %dma_start3A_11 = tpu.memref_slice %arg3[%add3A, %dma_start3A_10] : memref<32x512xi32, #tpu.memory_space<hbm>> -> memref<1x512xi32, #tpu.memory_space<hbm>>
      %dma_start3A_12 = tpu.memref_squeeze %dma_start3A_11 : memref<1x512xi32, #tpu.memory_space<hbm>> -> memref<512xi32, #tpu.memory_space<hbm>>
      tpu.enqueue_dma source(%dma_start3A_12 : memref<512xi32, #tpu.memory_space<hbm>>) target(%arg8 : memref<512xi32, #tpu.memory_space<vmem>>) target_semaphore(%run_scoped3A : memref<!tpu.dma_semaphore, #tpu.memory_space<semaphore_mem>>)
      %dma_wait3A = arith.constant 0 : i32
      %dma_wait3A_13 = tpu.memref_slice %arg3[%add3A, %dma_wait3A] : memref<32x512xi32, #tpu.memory_space<hbm>> -> memref<1x512xi32, #tpu.memory_space<hbm>>
      %dma_wait3A_14 = tpu.memref_squeeze %dma_wait3A_13 : memref<1x512xi32, #tpu.memory_space<hbm>> -> memref<512xi32, #tpu.memory_space<hbm>>
      %dma_wait3A_15 = arith.constant 0 : i32
      %dma_wait3A_16 = tpu.memref_slice %arg3[%add3A, %dma_wait3A_15] : memref<32x512xi32, #tpu.memory_space<hbm>> -> memref<1x512xi32, #tpu.memory_space<hbm>>
      %dma_wait3A_17 = tpu.memref_squeeze %dma_wait3A_16 : memref<1x512xi32, #tpu.memory_space<hbm>> -> memref<512xi32, #tpu.memory_space<hbm>>
      tpu.wait_dma2 semaphore(%run_scoped3A : memref<!tpu.dma_semaphore, #tpu.memory_space<semaphore_mem>>) src(%dma_wait3A_17 : memref<512xi32, #tpu.memory_space<hbm>>) dst(%arg8 : memref<512xi32, #tpu.memory_space<vmem>>)
      tpu.yield
    }) : () -> ()
    "tpu.region"() ({
      %run_scoped3A = tpu.sem_alloc : memref<!tpu.dma_semaphore, #tpu.memory_space<semaphore_mem>>
      %dma_start3A = arith.constant 0 : i32
      %dma_start3A_8 = tpu.memref_slice %arg9[%arg1, %dma_start3A] : memref<16x512xi32, #tpu.memory_space<vmem_shared>> -> memref<1x512xi32, #tpu.memory_space<vmem_shared>>
      %dma_start3A_9 = tpu.memref_squeeze %dma_start3A_8 : memref<1x512xi32, #tpu.memory_space<vmem_shared>> -> memref<512xi32, #tpu.memory_space<vmem_shared>>
      %dma_start3A_10 = arith.constant 0 : i32
      %dma_start3A_11 = tpu.memref_slice %arg2[%add3A, %dma_start3A_10] : memref<32x512xi32, #tpu.memory_space<hbm>> -> memref<1x512xi32, #tpu.memory_space<hbm>>
      %dma_start3A_12 = tpu.memref_squeeze %dma_start3A_11 : memref<1x512xi32, #tpu.memory_space<hbm>> -> memref<512xi32, #tpu.memory_space<hbm>>
      tpu.enqueue_dma source(%dma_start3A_12 : memref<512xi32, #tpu.memory_space<hbm>>) target(%dma_start3A_9 : memref<512xi32, #tpu.memory_space<vmem_shared>>) target_semaphore(%run_scoped3A : memref<!tpu.dma_semaphore, #tpu.memory_space<semaphore_mem>>)
      %dma_wait3A = arith.constant 0 : i32
      %dma_wait3A_13 = tpu.memref_slice %arg9[%arg1, %dma_wait3A] : memref<16x512xi32, #tpu.memory_space<vmem_shared>> -> memref<1x512xi32, #tpu.memory_space<vmem_shared>>
      %dma_wait3A_14 = tpu.memref_squeeze %dma_wait3A_13 : memref<1x512xi32, #tpu.memory_space<vmem_shared>> -> memref<512xi32, #tpu.memory_space<vmem_shared>>
      %dma_wait3A_15 = arith.constant 0 : i32
      %dma_wait3A_16 = tpu.memref_slice %arg2[%add3A, %dma_wait3A_15] : memref<32x512xi32, #tpu.memory_space<hbm>> -> memref<1x512xi32, #tpu.memory_space<hbm>>
      %dma_wait3A_17 = tpu.memref_squeeze %dma_wait3A_16 : memref<1x512xi32, #tpu.memory_space<hbm>> -> memref<512xi32, #tpu.memory_space<hbm>>
      tpu.wait_dma2 semaphore(%run_scoped3A : memref<!tpu.dma_semaphore, #tpu.memory_space<semaphore_mem>>) src(%dma_wait3A_17 : memref<512xi32, #tpu.memory_space<hbm>>) dst(%dma_wait3A_14 : memref<512xi32, #tpu.memory_space<vmem_shared>>)
      tpu.yield
    }) : () -> ()
    "tpu.region"() ({
      %run_scoped3A = tpu.sem_alloc : memref<!tpu.dma_semaphore, #tpu.memory_space<semaphore_mem>>
      %dma_start3A = arith.constant 0 : i32
      %dma_start3A_8 = tpu.memref_slice %arg10[%arg1, %dma_start3A] : memref<16x512xi32, #tpu.memory_space<vmem_shared>> -> memref<1x512xi32, #tpu.memory_space<vmem_shared>>
      %dma_start3A_9 = tpu.memref_squeeze %dma_start3A_8 : memref<1x512xi32, #tpu.memory_space<vmem_shared>> -> memref<512xi32, #tpu.memory_space<vmem_shared>>
      %dma_start3A_10 = arith.constant 0 : i32
      %dma_start3A_11 = tpu.memref_slice %arg3[%add3A, %dma_start3A_10] : memref<32x512xi32, #tpu.memory_space<hbm>> -> memref<1x512xi32, #tpu.memory_space<hbm>>
      %dma_start3A_12 = tpu.memref_squeeze %dma_start3A_11 : memref<1x512xi32, #tpu.memory_space<hbm>> -> memref<512xi32, #tpu.memory_space<hbm>>
      tpu.enqueue_dma source(%dma_start3A_12 : memref<512xi32, #tpu.memory_space<hbm>>) target(%dma_start3A_9 : memref<512xi32, #tpu.memory_space<vmem_shared>>) target_semaphore(%run_scoped3A : memref<!tpu.dma_semaphore, #tpu.memory_space<semaphore_mem>>)
      %dma_wait3A = arith.constant 0 : i32
      %dma_wait3A_13 = tpu.memref_slice %arg10[%arg1, %dma_wait3A] : memref<16x512xi32, #tpu.memory_space<vmem_shared>> -> memref<1x512xi32, #tpu.memory_space<vmem_shared>>
      %dma_wait3A_14 = tpu.memref_squeeze %dma_wait3A_13 : memref<1x512xi32, #tpu.memory_space<vmem_shared>> -> memref<512xi32, #tpu.memory_space<vmem_shared>>
      %dma_wait3A_15 = arith.constant 0 : i32
      %dma_wait3A_16 = tpu.memref_slice %arg3[%add3A, %dma_wait3A_15] : memref<32x512xi32, #tpu.memory_space<hbm>> -> memref<1x512xi32, #tpu.memory_space<hbm>>
      %dma_wait3A_17 = tpu.memref_squeeze %dma_wait3A_16 : memref<1x512xi32, #tpu.memory_space<hbm>> -> memref<512xi32, #tpu.memory_space<hbm>>
      tpu.wait_dma2 semaphore(%run_scoped3A : memref<!tpu.dma_semaphore, #tpu.memory_space<semaphore_mem>>) src(%dma_wait3A_17 : memref<512xi32, #tpu.memory_space<hbm>>) dst(%dma_wait3A_14 : memref<512xi32, #tpu.memory_space<vmem_shared>>)
      tpu.yield
    }) : () -> ()
    "tpu.region"() ({
      %run_scoped3A = tpu.sem_alloc : memref<!tpu.dma_semaphore, #tpu.memory_space<semaphore_mem>>
      %dma_start3A = arith.constant 0 : i32
      %dma_start3A_8 = tpu.memref_slice %arg9[%arg1, %dma_start3A] : memref<16x512xi32, #tpu.memory_space<vmem_shared>> -> memref<1x512xi32, #tpu.memory_space<vmem_shared>>
      %dma_start3A_9 = tpu.memref_squeeze %dma_start3A_8 : memref<1x512xi32, #tpu.memory_space<vmem_shared>> -> memref<512xi32, #tpu.memory_space<vmem_shared>>
      tpu.enqueue_dma source(%dma_start3A_9 : memref<512xi32, #tpu.memory_space<vmem_shared>>) target(%arg11 : memref<512xi32, #tpu.memory_space<smem>>) target_semaphore(%run_scoped3A : memref<!tpu.dma_semaphore, #tpu.memory_space<semaphore_mem>>)
      %dma_wait3A = arith.constant 0 : i32
      %dma_wait3A_10 = tpu.memref_slice %arg9[%arg1, %dma_wait3A] : memref<16x512xi32, #tpu.memory_space<vmem_shared>> -> memref<1x512xi32, #tpu.memory_space<vmem_shared>>
      %dma_wait3A_11 = tpu.memref_squeeze %dma_wait3A_10 : memref<1x512xi32, #tpu.memory_space<vmem_shared>> -> memref<512xi32, #tpu.memory_space<vmem_shared>>
      tpu.wait_dma2 semaphore(%run_scoped3A : memref<!tpu.dma_semaphore, #tpu.memory_space<semaphore_mem>>) src(%dma_wait3A_11 : memref<512xi32, #tpu.memory_space<vmem_shared>>) dst(%arg11 : memref<512xi32, #tpu.memory_space<smem>>)
      tpu.yield
    }) : () -> ()
    "tpu.region"() ({
      %run_scoped3A = tpu.sem_alloc : memref<!tpu.dma_semaphore, #tpu.memory_space<semaphore_mem>>
      %dma_start3A = arith.constant 0 : i32
      %dma_start3A_8 = tpu.memref_slice %arg10[%arg1, %dma_start3A] : memref<16x512xi32, #tpu.memory_space<vmem_shared>> -> memref<1x512xi32, #tpu.memory_space<vmem_shared>>
      %dma_start3A_9 = tpu.memref_squeeze %dma_start3A_8 : memref<1x512xi32, #tpu.memory_space<vmem_shared>> -> memref<512xi32, #tpu.memory_space<vmem_shared>>
      tpu.enqueue_dma source(%dma_start3A_9 : memref<512xi32, #tpu.memory_space<vmem_shared>>) target(%arg12 : memref<512xi32, #tpu.memory_space<smem>>) target_semaphore(%run_scoped3A : memref<!tpu.dma_semaphore, #tpu.memory_space<semaphore_mem>>)
      %dma_wait3A = arith.constant 0 : i32
      %dma_wait3A_10 = tpu.memref_slice %arg10[%arg1, %dma_wait3A] : memref<16x512xi32, #tpu.memory_space<vmem_shared>> -> memref<1x512xi32, #tpu.memory_space<vmem_shared>>
      %dma_wait3A_11 = tpu.memref_squeeze %dma_wait3A_10 : memref<1x512xi32, #tpu.memory_space<vmem_shared>> -> memref<512xi32, #tpu.memory_space<vmem_shared>>
      tpu.wait_dma2 semaphore(%run_scoped3A : memref<!tpu.dma_semaphore, #tpu.memory_space<semaphore_mem>>) src(%dma_wait3A_11 : memref<512xi32, #tpu.memory_space<vmem_shared>>) dst(%arg12 : memref<512xi32, #tpu.memory_space<smem>>)
      tpu.yield
    }) : () -> ()
    %iota3A = tpu.iota {dimensions = array<i32: 0>} : vector<16xi32>
    %scan3A = arith.constant 0 : i32
    %scan3A_3 = arith.constant 0 : i32
    %scan3A_4 = arith.constant 2 : i32
    %scan3A_5 = arith.addi %scan3A_3, %scan3A_4 : i32
    %scan3A_6 = arith.constant 1 : i32
    scf.for %scan3A_8 = %scan3A_3 to %scan3A_5 step %scan3A_6  : i32 {
      %scan3A_9 = arith.constant 0 : i32
      %scan3A_10 = arith.constant 0 : i32
      %scan3A_11 = arith.constant 64 : i32
      %scan3A_12 = arith.addi %scan3A_10, %scan3A_11 : i32
      %scan3A_13 = arith.constant 1 : i32
      scf.for %scan3A_34 = %scan3A_10 to %scan3A_12 step %scan3A_13  : i32 {
        %mul3A_35 = arith.constant 4 : i32
        %mul3A_36 = arith.muli %scan3A_34, %mul3A_35 : i32
        %add3A_37 = arith.constant 0 : i32
        %add3A_38 = arith.addi %mul3A_36, %add3A_37 : i32
        %mul3A_39 = arith.constant 256 : i32
        %mul3A_40 = arith.muli %scan3A_8, %mul3A_39 : i32
        %add3A_41 = arith.addi %mul3A_40, %add3A_38 : i32
        %get3A = arith.index_cast %add3A_41 : i32 to index
        %get3A_42 = memref.load %arg11[%get3A] : memref<512xi32, #tpu.memory_space<smem>>
        %dma_start3A = arith.constant 0 : i32
        %dma_start3A_43 = tpu.memref_slice %arg13[%arg1, %add3A_38, %dma_start3A] : memref<16x256x32xf32, #tpu.memory_space<vmem_shared>> -> memref<1x1x32xf32, #tpu.memory_space<vmem_shared>>
        %dma_start3A_44 = tpu.memref_squeeze %dma_start3A_43 : memref<1x1x32xf32, #tpu.memory_space<vmem_shared>> -> memref<1x32xf32, #tpu.memory_space<vmem_shared>>
        %dma_start3A_45 = arith.constant 0 : i32
        %dma_start3A_46 = tpu.memref_slice %arg4[%get3A_42, %dma_start3A_45] : memref<1000000x32xf32, #tpu.memory_space<hbm>> -> memref<1x32xf32, #tpu.memory_space<hbm>>
        tpu.enqueue_dma source(%dma_start3A_46 : memref<1x32xf32, #tpu.memory_space<hbm>>) target(%dma_start3A_44 : memref<1x32xf32, #tpu.memory_space<vmem_shared>>) target_semaphore(%arg18 : memref<!tpu.dma_semaphore, #tpu.memory_space<semaphore_mem>>)
        %get3A_47 = arith.index_cast %add3A_41 : i32 to index
        %get3A_48 = memref.load %arg12[%get3A_47] : memref<512xi32, #tpu.memory_space<smem>>
        %dma_start3A_49 = arith.constant 0 : i32
        %dma_start3A_50 = tpu.memref_slice %arg14[%arg1, %add3A_38, %dma_start3A_49] : memref<16x256x32xf32, #tpu.memory_space<vmem_shared>> -> memref<1x1x32xf32, #tpu.memory_space<vmem_shared>>
        %dma_start3A_51 = tpu.memref_squeeze %dma_start3A_50 : memref<1x1x32xf32, #tpu.memory_space<vmem_shared>> -> memref<1x32xf32, #tpu.memory_space<vmem_shared>>
        %dma_start3A_52 = arith.constant 0 : i32
        %dma_start3A_53 = tpu.memref_slice %arg5[%get3A_48, %dma_start3A_52] : memref<1000000x32xf32, #tpu.memory_space<hbm>> -> memref<1x32xf32, #tpu.memory_space<hbm>>
        tpu.enqueue_dma source(%dma_start3A_53 : memref<1x32xf32, #tpu.memory_space<hbm>>) target(%dma_start3A_51 : memref<1x32xf32, #tpu.memory_space<vmem_shared>>) target_semaphore(%arg18 : memref<!tpu.dma_semaphore, #tpu.memory_space<semaphore_mem>>)
        %mul3A_54 = arith.constant 4 : i32
        %mul3A_55 = arith.muli %scan3A_34, %mul3A_54 : i32
        %add3A_56 = arith.constant 1 : i32
        %add3A_57 = arith.addi %mul3A_55, %add3A_56 : i32
        %mul3A_58 = arith.constant 256 : i32
        %mul3A_59 = arith.muli %scan3A_8, %mul3A_58 : i32
        %add3A_60 = arith.addi %mul3A_59, %add3A_57 : i32
        %get3A_61 = arith.index_cast %add3A_60 : i32 to index
        %get3A_62 = memref.load %arg11[%get3A_61] : memref<512xi32, #tpu.memory_space<smem>>
        %dma_start3A_63 = arith.constant 0 : i32
        %dma_start3A_64 = tpu.memref_slice %arg13[%arg1, %add3A_57, %dma_start3A_63] : memref<16x256x32xf32, #tpu.memory_space<vmem_shared>> -> memref<1x1x32xf32, #tpu.memory_space<vmem_shared>>
        %dma_start3A_65 = tpu.memref_squeeze %dma_start3A_64 : memref<1x1x32xf32, #tpu.memory_space<vmem_shared>> -> memref<1x32xf32, #tpu.memory_space<vmem_shared>>
        %dma_start3A_66 = arith.constant 0 : i32
        %dma_start3A_67 = tpu.memref_slice %arg4[%get3A_62, %dma_start3A_66] : memref<1000000x32xf32, #tpu.memory_space<hbm>> -> memref<1x32xf32, #tpu.memory_space<hbm>>
        tpu.enqueue_dma source(%dma_start3A_67 : memref<1x32xf32, #tpu.memory_space<hbm>>) target(%dma_start3A_65 : memref<1x32xf32, #tpu.memory_space<vmem_shared>>) target_semaphore(%arg18 : memref<!tpu.dma_semaphore, #tpu.memory_space<semaphore_mem>>)
        %get3A_68 = arith.index_cast %add3A_60 : i32 to index
        %get3A_69 = memref.load %arg12[%get3A_68] : memref<512xi32, #tpu.memory_space<smem>>
        %dma_start3A_70 = arith.constant 0 : i32
        %dma_start3A_71 = tpu.memref_slice %arg14[%arg1, %add3A_57, %dma_start3A_70] : memref<16x256x32xf32, #tpu.memory_space<vmem_shared>> -> memref<1x1x32xf32, #tpu.memory_space<vmem_shared>>
        %dma_start3A_72 = tpu.memref_squeeze %dma_start3A_71 : memref<1x1x32xf32, #tpu.memory_space<vmem_shared>> -> memref<1x32xf32, #tpu.memory_space<vmem_shared>>
        %dma_start3A_73 = arith.constant 0 : i32
        %dma_start3A_74 = tpu.memref_slice %arg5[%get3A_69, %dma_start3A_73] : memref<1000000x32xf32, #tpu.memory_space<hbm>> -> memref<1x32xf32, #tpu.memory_space<hbm>>
        tpu.enqueue_dma source(%dma_start3A_74 : memref<1x32xf32, #tpu.memory_space<hbm>>) target(%dma_start3A_72 : memref<1x32xf32, #tpu.memory_space<vmem_shared>>) target_semaphore(%arg18 : memref<!tpu.dma_semaphore, #tpu.memory_space<semaphore_mem>>)
        %mul3A_75 = arith.constant 4 : i32
        %mul3A_76 = arith.muli %scan3A_34, %mul3A_75 : i32
        %add3A_77 = arith.constant 2 : i32
        %add3A_78 = arith.addi %mul3A_76, %add3A_77 : i32
        %mul3A_79 = arith.constant 256 : i32
        %mul3A_80 = arith.muli %scan3A_8, %mul3A_79 : i32
        %add3A_81 = arith.addi %mul3A_80, %add3A_78 : i32
        %get3A_82 = arith.index_cast %add3A_81 : i32 to index
        %get3A_83 = memref.load %arg11[%get3A_82] : memref<512xi32, #tpu.memory_space<smem>>
        %dma_start3A_84 = arith.constant 0 : i32
        %dma_start3A_85 = tpu.memref_slice %arg13[%arg1, %add3A_78, %dma_start3A_84] : memref<16x256x32xf32, #tpu.memory_space<vmem_shared>> -> memref<1x1x32xf32, #tpu.memory_space<vmem_shared>>
        %dma_start3A_86 = tpu.memref_squeeze %dma_start3A_85 : memref<1x1x32xf32, #tpu.memory_space<vmem_shared>> -> memref<1x32xf32, #tpu.memory_space<vmem_shared>>
        %dma_start3A_87 = arith.constant 0 : i32
        %dma_start3A_88 = tpu.memref_slice %arg4[%get3A_83, %dma_start3A_87] : memref<1000000x32xf32, #tpu.memory_space<hbm>> -> memref<1x32xf32, #tpu.memory_space<hbm>>
        tpu.enqueue_dma source(%dma_start3A_88 : memref<1x32xf32, #tpu.memory_space<hbm>>) target(%dma_start3A_86 : memref<1x32xf32, #tpu.memory_space<vmem_shared>>) target_semaphore(%arg18 : memref<!tpu.dma_semaphore, #tpu.memory_space<semaphore_mem>>)
        %get3A_89 = arith.index_cast %add3A_81 : i32 to index
        %get3A_90 = memref.load %arg12[%get3A_89] : memref<512xi32, #tpu.memory_space<smem>>
        %dma_start3A_91 = arith.constant 0 : i32
        %dma_start3A_92 = tpu.memref_slice %arg14[%arg1, %add3A_78, %dma_start3A_91] : memref<16x256x32xf32, #tpu.memory_space<vmem_shared>> -> memref<1x1x32xf32, #tpu.memory_space<vmem_shared>>
        %dma_start3A_93 = tpu.memref_squeeze %dma_start3A_92 : memref<1x1x32xf32, #tpu.memory_space<vmem_shared>> -> memref<1x32xf32, #tpu.memory_space<vmem_shared>>
        %dma_start3A_94 = arith.constant 0 : i32
        %dma_start3A_95 = tpu.memref_slice %arg5[%get3A_90, %dma_start3A_94] : memref<1000000x32xf32, #tpu.memory_space<hbm>> -> memref<1x32xf32, #tpu.memory_space<hbm>>
        tpu.enqueue_dma source(%dma_start3A_95 : memref<1x32xf32, #tpu.memory_space<hbm>>) target(%dma_start3A_93 : memref<1x32xf32, #tpu.memory_space<vmem_shared>>) target_semaphore(%arg18 : memref<!tpu.dma_semaphore, #tpu.memory_space<semaphore_mem>>)
        %mul3A_96 = arith.constant 4 : i32
        %mul3A_97 = arith.muli %scan3A_34, %mul3A_96 : i32
        %add3A_98 = arith.constant 3 : i32
        %add3A_99 = arith.addi %mul3A_97, %add3A_98 : i32
        %mul3A_100 = arith.constant 256 : i32
        %mul3A_101 = arith.muli %scan3A_8, %mul3A_100 : i32
        %add3A_102 = arith.addi %mul3A_101, %add3A_99 : i32
        %get3A_103 = arith.index_cast %add3A_102 : i32 to index
        %get3A_104 = memref.load %arg11[%get3A_103] : memref<512xi32, #tpu.memory_space<smem>>
        %dma_start3A_105 = arith.constant 0 : i32
        %dma_start3A_106 = tpu.memref_slice %arg13[%arg1, %add3A_99, %dma_start3A_105] : memref<16x256x32xf32, #tpu.memory_space<vmem_shared>> -> memref<1x1x32xf32, #tpu.memory_space<vmem_shared>>
        %dma_start3A_107 = tpu.memref_squeeze %dma_start3A_106 : memref<1x1x32xf32, #tpu.memory_space<vmem_shared>> -> memref<1x32xf32, #tpu.memory_space<vmem_shared>>
        %dma_start3A_108 = arith.constant 0 : i32
        %dma_start3A_109 = tpu.memref_slice %arg4[%get3A_104, %dma_start3A_108] : memref<1000000x32xf32, #tpu.memory_space<hbm>> -> memref<1x32xf32, #tpu.memory_space<hbm>>
        tpu.enqueue_dma source(%dma_start3A_109 : memref<1x32xf32, #tpu.memory_space<hbm>>) target(%dma_start3A_107 : memref<1x32xf32, #tpu.memory_space<vmem_shared>>) target_semaphore(%arg18 : memref<!tpu.dma_semaphore, #tpu.memory_space<semaphore_mem>>)
        %get3A_110 = arith.index_cast %add3A_102 : i32 to index
        %get3A_111 = memref.load %arg12[%get3A_110] : memref<512xi32, #tpu.memory_space<smem>>
        %dma_start3A_112 = arith.constant 0 : i32
        %dma_start3A_113 = tpu.memref_slice %arg14[%arg1, %add3A_99, %dma_start3A_112] : memref<16x256x32xf32, #tpu.memory_space<vmem_shared>> -> memref<1x1x32xf32, #tpu.memory_space<vmem_shared>>
        %dma_start3A_114 = tpu.memref_squeeze %dma_start3A_113 : memref<1x1x32xf32, #tpu.memory_space<vmem_shared>> -> memref<1x32xf32, #tpu.memory_space<vmem_shared>>
        %dma_start3A_115 = arith.constant 0 : i32
        %dma_start3A_116 = tpu.memref_slice %arg5[%get3A_111, %dma_start3A_115] : memref<1000000x32xf32, #tpu.memory_space<hbm>> -> memref<1x32xf32, #tpu.memory_space<hbm>>
        tpu.enqueue_dma source(%dma_start3A_116 : memref<1x32xf32, #tpu.memory_space<hbm>>) target(%dma_start3A_114 : memref<1x32xf32, #tpu.memory_space<vmem_shared>>) target_semaphore(%arg18 : memref<!tpu.dma_semaphore, #tpu.memory_space<semaphore_mem>>)
      }
      %scan3A_14 = arith.constant 64 : i32
      %dma_wait3A = arith.constant 0 : i32
      %dma_wait3A_15 = arith.constant 0 : i32
      %dma_wait3A_16 = tpu.memref_slice %arg13[%arg1, %dma_wait3A, %dma_wait3A_15] : memref<16x256x32xf32, #tpu.memory_space<vmem_shared>> -> memref<1x256x32xf32, #tpu.memory_space<vmem_shared>>
      %dma_wait3A_17 = tpu.memref_squeeze %dma_wait3A_16 : memref<1x256x32xf32, #tpu.memory_space<vmem_shared>> -> memref<256x32xf32, #tpu.memory_space<vmem_shared>>
      %dma_wait3A_18 = arith.constant 0 : i32
      %dma_wait3A_19 = arith.constant 0 : i32
      %dma_wait3A_20 = tpu.memref_slice %arg4[%dma_wait3A_18, %dma_wait3A_19] : memref<1000000x32xf32, #tpu.memory_space<hbm>> -> memref<256x32xf32, #tpu.memory_space<hbm>>
      tpu.wait_dma2 semaphore(%arg18 : memref<!tpu.dma_semaphore, #tpu.memory_space<semaphore_mem>>) src(%dma_wait3A_20 : memref<256x32xf32, #tpu.memory_space<hbm>>) dst(%dma_wait3A_17 : memref<256x32xf32, #tpu.memory_space<vmem_shared>>)
      %dma_wait3A_21 = arith.constant 0 : i32
      %dma_wait3A_22 = arith.constant 0 : i32
      %dma_wait3A_23 = tpu.memref_slice %arg14[%arg1, %dma_wait3A_21, %dma_wait3A_22] : memref<16x256x32xf32, #tpu.memory_space<vmem_shared>> -> memref<1x256x32xf32, #tpu.memory_space<vmem_shared>>
      %dma_wait3A_24 = tpu.memref_squeeze %dma_wait3A_23 : memref<1x256x32xf32, #tpu.memory_space<vmem_shared>> -> memref<256x32xf32, #tpu.memory_space<vmem_shared>>
      %dma_wait3A_25 = arith.constant 0 : i32
      %dma_wait3A_26 = arith.constant 0 : i32
      %dma_wait3A_27 = tpu.memref_slice %arg5[%dma_wait3A_25, %dma_wait3A_26] : memref<1000000x32xf32, #tpu.memory_space<hbm>> -> memref<256x32xf32, #tpu.memory_space<hbm>>
      tpu.wait_dma2 semaphore(%arg18 : memref<!tpu.dma_semaphore, #tpu.memory_space<semaphore_mem>>) src(%dma_wait3A_27 : memref<256x32xf32, #tpu.memory_space<hbm>>) dst(%dma_wait3A_24 : memref<256x32xf32, #tpu.memory_space<vmem_shared>>)
      "tpu.region"() ({
        %run_scoped3A = tpu.sem_alloc : memref<!tpu.dma_semaphore, #tpu.memory_space<semaphore_mem>>
        %dma_start3A = arith.constant 0 : i32
        %dma_start3A_34 = arith.constant 0 : i32
        %dma_start3A_35 = tpu.memref_slice %arg13[%arg1, %dma_start3A, %dma_start3A_34] : memref<16x256x32xf32, #tpu.memory_space<vmem_shared>> -> memref<1x256x32xf32, #tpu.memory_space<vmem_shared>>
        %dma_start3A_36 = tpu.memref_squeeze %dma_start3A_35 : memref<1x256x32xf32, #tpu.memory_space<vmem_shared>> -> memref<256x32xf32, #tpu.memory_space<vmem_shared>>
        %dma_start3A_37 = arith.constant 0 : i32
        %dma_start3A_38 = arith.constant 0 : i32
        %dma_start3A_39 = tpu.memref_slice %arg13[%arg1, %dma_start3A_37, %dma_start3A_38] : memref<16x256x32xf32, #tpu.memory_space<vmem_shared>> -> memref<1x256x32xf32, #tpu.memory_space<vmem_shared>>
        %dma_start3A_40 = tpu.memref_squeeze %dma_start3A_39 : memref<1x256x32xf32, #tpu.memory_space<vmem_shared>> -> memref<256x32xf32, #tpu.memory_space<vmem_shared>>
        tpu.enqueue_dma source(%dma_start3A_40 : memref<256x32xf32, #tpu.memory_space<vmem_shared>>) target(%arg15 : memref<256x32xf32, #tpu.memory_space<vmem>>) target_semaphore(%run_scoped3A : memref<!tpu.dma_semaphore, #tpu.memory_space<semaphore_mem>>)
        %dma_wait3A_41 = arith.constant 0 : i32
        %dma_wait3A_42 = arith.constant 0 : i32
        %dma_wait3A_43 = tpu.memref_slice %arg13[%arg1, %dma_wait3A_41, %dma_wait3A_42] : memref<16x256x32xf32, #tpu.memory_space<vmem_shared>> -> memref<1x256x32xf32, #tpu.memory_space<vmem_shared>>
        %dma_wait3A_44 = tpu.memref_squeeze %dma_wait3A_43 : memref<1x256x32xf32, #tpu.memory_space<vmem_shared>> -> memref<256x32xf32, #tpu.memory_space<vmem_shared>>
        %dma_wait3A_45 = arith.constant 0 : i32
        %dma_wait3A_46 = arith.constant 0 : i32
        %dma_wait3A_47 = tpu.memref_slice %arg13[%arg1, %dma_wait3A_45, %dma_wait3A_46] : memref<16x256x32xf32, #tpu.memory_space<vmem_shared>> -> memref<1x256x32xf32, #tpu.memory_space<vmem_shared>>
        %dma_wait3A_48 = tpu.memref_squeeze %dma_wait3A_47 : memref<1x256x32xf32, #tpu.memory_space<vmem_shared>> -> memref<256x32xf32, #tpu.memory_space<vmem_shared>>
        tpu.wait_dma2 semaphore(%run_scoped3A : memref<!tpu.dma_semaphore, #tpu.memory_space<semaphore_mem>>) src(%dma_wait3A_48 : memref<256x32xf32, #tpu.memory_space<vmem_shared>>) dst(%arg15 : memref<256x32xf32, #tpu.memory_space<vmem>>)
        tpu.yield
      }) : () -> ()
      "tpu.region"() ({
        %run_scoped3A = tpu.sem_alloc : memref<!tpu.dma_semaphore, #tpu.memory_space<semaphore_mem>>
        %dma_start3A = arith.constant 0 : i32
        %dma_start3A_34 = arith.constant 0 : i32
        %dma_start3A_35 = tpu.memref_slice %arg14[%arg1, %dma_start3A, %dma_start3A_34] : memref<16x256x32xf32, #tpu.memory_space<vmem_shared>> -> memref<1x256x32xf32, #tpu.memory_space<vmem_shared>>
        %dma_start3A_36 = tpu.memref_squeeze %dma_start3A_35 : memref<1x256x32xf32, #tpu.memory_space<vmem_shared>> -> memref<256x32xf32, #tpu.memory_space<vmem_shared>>
        %dma_start3A_37 = arith.constant 0 : i32
        %dma_start3A_38 = arith.constant 0 : i32
        %dma_start3A_39 = tpu.memref_slice %arg14[%arg1, %dma_start3A_37, %dma_start3A_38] : memref<16x256x32xf32, #tpu.memory_space<vmem_shared>> -> memref<1x256x32xf32, #tpu.memory_space<vmem_shared>>
        %dma_start3A_40 = tpu.memref_squeeze %dma_start3A_39 : memref<1x256x32xf32, #tpu.memory_space<vmem_shared>> -> memref<256x32xf32, #tpu.memory_space<vmem_shared>>
        tpu.enqueue_dma source(%dma_start3A_40 : memref<256x32xf32, #tpu.memory_space<vmem_shared>>) target(%arg16 : memref<256x32xf32, #tpu.memory_space<vmem>>) target_semaphore(%run_scoped3A : memref<!tpu.dma_semaphore, #tpu.memory_space<semaphore_mem>>)
        %dma_wait3A_41 = arith.constant 0 : i32
        %dma_wait3A_42 = arith.constant 0 : i32
        %dma_wait3A_43 = tpu.memref_slice %arg14[%arg1, %dma_wait3A_41, %dma_wait3A_42] : memref<16x256x32xf32, #tpu.memory_space<vmem_shared>> -> memref<1x256x32xf32, #tpu.memory_space<vmem_shared>>
        %dma_wait3A_44 = tpu.memref_squeeze %dma_wait3A_43 : memref<1x256x32xf32, #tpu.memory_space<vmem_shared>> -> memref<256x32xf32, #tpu.memory_space<vmem_shared>>
        %dma_wait3A_45 = arith.constant 0 : i32
        %dma_wait3A_46 = arith.constant 0 : i32
        %dma_wait3A_47 = tpu.memref_slice %arg14[%arg1, %dma_wait3A_45, %dma_wait3A_46] : memref<16x256x32xf32, #tpu.memory_space<vmem_shared>> -> memref<1x256x32xf32, #tpu.memory_space<vmem_shared>>
        %dma_wait3A_48 = tpu.memref_squeeze %dma_wait3A_47 : memref<1x256x32xf32, #tpu.memory_space<vmem_shared>> -> memref<256x32xf32, #tpu.memory_space<vmem_shared>>
        tpu.wait_dma2 semaphore(%run_scoped3A : memref<!tpu.dma_semaphore, #tpu.memory_space<semaphore_mem>>) src(%dma_wait3A_48 : memref<256x32xf32, #tpu.memory_space<vmem_shared>>) dst(%arg16 : memref<256x32xf32, #tpu.memory_space<vmem>>)
        tpu.yield
      }) : () -> ()
      %scan3A_28 = arith.constant 0 : i32
      %scan3A_29 = arith.constant 0 : i32
      %scan3A_30 = arith.constant 16 : i32
      %scan3A_31 = arith.addi %scan3A_29, %scan3A_30 : i32
      %scan3A_32 = arith.constant 1 : i32
      scf.for %scan3A_34 = %scan3A_29 to %scan3A_31 step %scan3A_32  : i32 {
        %mul3A_35 = arith.constant 16 : i32
        %mul3A_36 = arith.muli %scan3A_34, %mul3A_35 : i32
        %add3A_37 = vector.broadcast %mul3A_36 : i32 to vector<16xi32>
        %add3A_38 = arith.addi %add3A_37, %iota3A : vector<16xi32>
        %broadcast_in_dim3A = arith.constant 0.000000e+00 : f32
        %broadcast_in_dim3A_39 = vector.broadcast %broadcast_in_dim3A : f32 to vector<16xf32>
        %broadcast_in_dim3A_40 = arith.constant 0 : i32
        %broadcast_in_dim3A_41 = vector.broadcast %broadcast_in_dim3A_40 : i32 to vector<16xi32>
        %gather3A = tpu.vector_load_idx %arg15[%add3A_38, %broadcast_in_dim3A_41] : memref<256x32xf32, #tpu.memory_space<vmem>>[vector<16xi32>, vector<16xi32>], vector<16xf32>,
        %gather3A_42 = tpu.vector_load_idx %arg16[%add3A_38, %broadcast_in_dim3A_41] : memref<256x32xf32, #tpu.memory_space<vmem>>[vector<16xi32>, vector<16xi32>], vector<16xf32>,
        %mul3A_43 = arith.mulf %gather3A, %gather3A_42 : vector<16xf32>
        %add3A_44 = arith.addf %broadcast_in_dim3A_39, %mul3A_43 : vector<16xf32>
        %broadcast_in_dim3A_45 = arith.constant 1 : i32
        %broadcast_in_dim3A_46 = vector.broadcast %broadcast_in_dim3A_45 : i32 to vector<16xi32>
        %gather3A_47 = tpu.vector_load_idx %arg15[%add3A_38, %broadcast_in_dim3A_46] : memref<256x32xf32, #tpu.memory_space<vmem>>[vector<16xi32>, vector<16xi32>], vector<16xf32>,
        %gather3A_48 = tpu.vector_load_idx %arg16[%add3A_38, %broadcast_in_dim3A_46] : memref<256x32xf32, #tpu.memory_space<vmem>>[vector<16xi32>, vector<16xi32>], vector<16xf32>,
        %mul3A_49 = arith.mulf %gather3A_47, %gather3A_48 : vector<16xf32>
        %add3A_50 = arith.addf %add3A_44, %mul3A_49 : vector<16xf32>
        %broadcast_in_dim3A_51 = arith.constant 2 : i32
        %broadcast_in_dim3A_52 = vector.broadcast %broadcast_in_dim3A_51 : i32 to vector<16xi32>
        %gather3A_53 = tpu.vector_load_idx %arg15[%add3A_38, %broadcast_in_dim3A_52] : memref<256x32xf32, #tpu.memory_space<vmem>>[vector<16xi32>, vector<16xi32>], vector<16xf32>,
        %gather3A_54 = tpu.vector_load_idx %arg16[%add3A_38, %broadcast_in_dim3A_52] : memref<256x32xf32, #tpu.memory_space<vmem>>[vector<16xi32>, vector<16xi32>], vector<16xf32>,
        %mul3A_55 = arith.mulf %gather3A_53, %gather3A_54 : vector<16xf32>
        %add3A_56 = arith.addf %add3A_50, %mul3A_55 : vector<16xf32>
        %broadcast_in_dim3A_57 = arith.constant 3 : i32
        %broadcast_in_dim3A_58 = vector.broadcast %broadcast_in_dim3A_57 : i32 to vector<16xi32>
        %gather3A_59 = tpu.vector_load_idx %arg15[%add3A_38, %broadcast_in_dim3A_58] : memref<256x32xf32, #tpu.memory_space<vmem>>[vector<16xi32>, vector<16xi32>], vector<16xf32>,
        %gather3A_60 = tpu.vector_load_idx %arg16[%add3A_38, %broadcast_in_dim3A_58] : memref<256x32xf32, #tpu.memory_space<vmem>>[vector<16xi32>, vector<16xi32>], vector<16xf32>,
        %mul3A_61 = arith.mulf %gather3A_59, %gather3A_60 : vector<16xf32>
        %add3A_62 = arith.addf %add3A_56, %mul3A_61 : vector<16xf32>
        %broadcast_in_dim3A_63 = arith.constant 4 : i32
        %broadcast_in_dim3A_64 = vector.broadcast %broadcast_in_dim3A_63 : i32 to vector<16xi32>
        %gather3A_65 = tpu.vector_load_idx %arg15[%add3A_38, %broadcast_in_dim3A_64] : memref<256x32xf32, #tpu.memory_space<vmem>>[vector<16xi32>, vector<16xi32>], vector<16xf32>,
        %gather3A_66 = tpu.vector_load_idx %arg16[%add3A_38, %broadcast_in_dim3A_64] : memref<256x32xf32, #tpu.memory_space<vmem>>[vector<16xi32>, vector<16xi32>], vector<16xf32>,
        %mul3A_67 = arith.mulf %gather3A_65, %gather3A_66 : vector<16xf32>
        %add3A_68 = arith.addf %add3A_62, %mul3A_67 : vector<16xf32>
        %broadcast_in_dim3A_69 = arith.constant 5 : i32
        %broadcast_in_dim3A_70 = vector.broadcast %broadcast_in_dim3A_69 : i32 to vector<16xi32>
        %gather3A_71 = tpu.vector_load_idx %arg15[%add3A_38, %broadcast_in_dim3A_70] : memref<256x32xf32, #tpu.memory_space<vmem>>[vector<16xi32>, vector<16xi32>], vector<16xf32>,
        %gather3A_72 = tpu.vector_load_idx %arg16[%add3A_38, %broadcast_in_dim3A_70] : memref<256x32xf32, #tpu.memory_space<vmem>>[vector<16xi32>, vector<16xi32>], vector<16xf32>,
        %mul3A_73 = arith.mulf %gather3A_71, %gather3A_72 : vector<16xf32>
        %add3A_74 = arith.addf %add3A_68, %mul3A_73 : vector<16xf32>
        %broadcast_in_dim3A_75 = arith.constant 6 : i32
        %broadcast_in_dim3A_76 = vector.broadcast %broadcast_in_dim3A_75 : i32 to vector<16xi32>
        %gather3A_77 = tpu.vector_load_idx %arg15[%add3A_38, %broadcast_in_dim3A_76] : memref<256x32xf32, #tpu.memory_space<vmem>>[vector<16xi32>, vector<16xi32>], vector<16xf32>,
        %gather3A_78 = tpu.vector_load_idx %arg16[%add3A_38, %broadcast_in_dim3A_76] : memref<256x32xf32, #tpu.memory_space<vmem>>[vector<16xi32>, vector<16xi32>], vector<16xf32>,
        %mul3A_79 = arith.mulf %gather3A_77, %gather3A_78 : vector<16xf32>
        %add3A_80 = arith.addf %add3A_74, %mul3A_79 : vector<16xf32>
        %broadcast_in_dim3A_81 = arith.constant 7 : i32
        %broadcast_in_dim3A_82 = vector.broadcast %broadcast_in_dim3A_81 : i32 to vector<16xi32>
        %gather3A_83 = tpu.vector_load_idx %arg15[%add3A_38, %broadcast_in_dim3A_82] : memref<256x32xf32, #tpu.memory_space<vmem>>[vector<16xi32>, vector<16xi32>], vector<16xf32>,
        %gather3A_84 = tpu.vector_load_idx %arg16[%add3A_38, %broadcast_in_dim3A_82] : memref<256x32xf32, #tpu.memory_space<vmem>>[vector<16xi32>, vector<16xi32>], vector<16xf32>,
        %mul3A_85 = arith.mulf %gather3A_83, %gather3A_84 : vector<16xf32>
        %add3A_86 = arith.addf %add3A_80, %mul3A_85 : vector<16xf32>
        %broadcast_in_dim3A_87 = arith.constant 8 : i32
        %broadcast_in_dim3A_88 = vector.broadcast %broadcast_in_dim3A_87 : i32 to vector<16xi32>
        %gather3A_89 = tpu.vector_load_idx %arg15[%add3A_38, %broadcast_in_dim3A_88] : memref<256x32xf32, #tpu.memory_space<vmem>>[vector<16xi32>, vector<16xi32>], vector<16xf32>,
        %gather3A_90 = tpu.vector_load_idx %arg16[%add3A_38, %broadcast_in_dim3A_88] : memref<256x32xf32, #tpu.memory_space<vmem>>[vector<16xi32>, vector<16xi32>], vector<16xf32>,
        %mul3A_91 = arith.mulf %gather3A_89, %gather3A_90 : vector<16xf32>
        %add3A_92 = arith.addf %add3A_86, %mul3A_91 : vector<16xf32>
        %broadcast_in_dim3A_93 = arith.constant 9 : i32
        %broadcast_in_dim3A_94 = vector.broadcast %broadcast_in_dim3A_93 : i32 to vector<16xi32>
        %gather3A_95 = tpu.vector_load_idx %arg15[%add3A_38, %broadcast_in_dim3A_94] : memref<256x32xf32, #tpu.memory_space<vmem>>[vector<16xi32>, vector<16xi32>], vector<16xf32>,
        %gather3A_96 = tpu.vector_load_idx %arg16[%add3A_38, %broadcast_in_dim3A_94] : memref<256x32xf32, #tpu.memory_space<vmem>>[vector<16xi32>, vector<16xi32>], vector<16xf32>,
        %mul3A_97 = arith.mulf %gather3A_95, %gather3A_96 : vector<16xf32>
        %add3A_98 = arith.addf %add3A_92, %mul3A_97 : vector<16xf32>
        %broadcast_in_dim3A_99 = arith.constant 10 : i32
        %broadcast_in_dim3A_100 = vector.broadcast %broadcast_in_dim3A_99 : i32 to vector<16xi32>
        %gather3A_101 = tpu.vector_load_idx %arg15[%add3A_38, %broadcast_in_dim3A_100] : memref<256x32xf32, #tpu.memory_space<vmem>>[vector<16xi32>, vector<16xi32>], vector<16xf32>,
        %gather3A_102 = tpu.vector_load_idx %arg16[%add3A_38, %broadcast_in_dim3A_100] : memref<256x32xf32, #tpu.memory_space<vmem>>[vector<16xi32>, vector<16xi32>], vector<16xf32>,
        %mul3A_103 = arith.mulf %gather3A_101, %gather3A_102 : vector<16xf32>
        %add3A_104 = arith.addf %add3A_98, %mul3A_103 : vector<16xf32>
        %broadcast_in_dim3A_105 = arith.constant 11 : i32
        %broadcast_in_dim3A_106 = vector.broadcast %broadcast_in_dim3A_105 : i32 to vector<16xi32>
        %gather3A_107 = tpu.vector_load_idx %arg15[%add3A_38, %broadcast_in_dim3A_106] : memref<256x32xf32, #tpu.memory_space<vmem>>[vector<16xi32>, vector<16xi32>], vector<16xf32>,
        %gather3A_108 = tpu.vector_load_idx %arg16[%add3A_38, %broadcast_in_dim3A_106] : memref<256x32xf32, #tpu.memory_space<vmem>>[vector<16xi32>, vector<16xi32>], vector<16xf32>,
        %mul3A_109 = arith.mulf %gather3A_107, %gather3A_108 : vector<16xf32>
        %add3A_110 = arith.addf %add3A_104, %mul3A_109 : vector<16xf32>
        %broadcast_in_dim3A_111 = arith.constant 12 : i32
        %broadcast_in_dim3A_112 = vector.broadcast %broadcast_in_dim3A_111 : i32 to vector<16xi32>
        %gather3A_113 = tpu.vector_load_idx %arg15[%add3A_38, %broadcast_in_dim3A_112] : memref<256x32xf32, #tpu.memory_space<vmem>>[vector<16xi32>, vector<16xi32>], vector<16xf32>,
        %gather3A_114 = tpu.vector_load_idx %arg16[%add3A_38, %broadcast_in_dim3A_112] : memref<256x32xf32, #tpu.memory_space<vmem>>[vector<16xi32>, vector<16xi32>], vector<16xf32>,
        %mul3A_115 = arith.mulf %gather3A_113, %gather3A_114 : vector<16xf32>
        %add3A_116 = arith.addf %add3A_110, %mul3A_115 : vector<16xf32>
        %broadcast_in_dim3A_117 = arith.constant 13 : i32
        %broadcast_in_dim3A_118 = vector.broadcast %broadcast_in_dim3A_117 : i32 to vector<16xi32>
        %gather3A_119 = tpu.vector_load_idx %arg15[%add3A_38, %broadcast_in_dim3A_118] : memref<256x32xf32, #tpu.memory_space<vmem>>[vector<16xi32>, vector<16xi32>], vector<16xf32>,
        %gather3A_120 = tpu.vector_load_idx %arg16[%add3A_38, %broadcast_in_dim3A_118] : memref<256x32xf32, #tpu.memory_space<vmem>>[vector<16xi32>, vector<16xi32>], vector<16xf32>,
        %mul3A_121 = arith.mulf %gather3A_119, %gather3A_120 : vector<16xf32>
        %add3A_122 = arith.addf %add3A_116, %mul3A_121 : vector<16xf32>
        %broadcast_in_dim3A_123 = arith.constant 14 : i32
        %broadcast_in_dim3A_124 = vector.broadcast %broadcast_in_dim3A_123 : i32 to vector<16xi32>
        %gather3A_125 = tpu.vector_load_idx %arg15[%add3A_38, %broadcast_in_dim3A_124] : memref<256x32xf32, #tpu.memory_space<vmem>>[vector<16xi32>, vector<16xi32>], vector<16xf32>,
        %gather3A_126 = tpu.vector_load_idx %arg16[%add3A_38, %broadcast_in_dim3A_124] : memref<256x32xf32, #tpu.memory_space<vmem>>[vector<16xi32>, vector<16xi32>], vector<16xf32>,
        %mul3A_127 = arith.mulf %gather3A_125, %gather3A_126 : vector<16xf32>
        %add3A_128 = arith.addf %add3A_122, %mul3A_127 : vector<16xf32>
        %broadcast_in_dim3A_129 = arith.constant 15 : i32
        %broadcast_in_dim3A_130 = vector.broadcast %broadcast_in_dim3A_129 : i32 to vector<16xi32>
        %gather3A_131 = tpu.vector_load_idx %arg15[%add3A_38, %broadcast_in_dim3A_130] : memref<256x32xf32, #tpu.memory_space<vmem>>[vector<16xi32>, vector<16xi32>], vector<16xf32>,
        %gather3A_132 = tpu.vector_load_idx %arg16[%add3A_38, %broadcast_in_dim3A_130] : memref<256x32xf32, #tpu.memory_space<vmem>>[vector<16xi32>, vector<16xi32>], vector<16xf32>,
        %mul3A_133 = arith.mulf %gather3A_131, %gather3A_132 : vector<16xf32>
        %add3A_134 = arith.addf %add3A_128, %mul3A_133 : vector<16xf32>
        %broadcast_in_dim3A_135 = arith.constant 16 : i32
        %broadcast_in_dim3A_136 = vector.broadcast %broadcast_in_dim3A_135 : i32 to vector<16xi32>
        %gather3A_137 = tpu.vector_load_idx %arg15[%add3A_38, %broadcast_in_dim3A_136] : memref<256x32xf32, #tpu.memory_space<vmem>>[vector<16xi32>, vector<16xi32>], vector<16xf32>,
        %gather3A_138 = tpu.vector_load_idx %arg16[%add3A_38, %broadcast_in_dim3A_136] : memref<256x32xf32, #tpu.memory_space<vmem>>[vector<16xi32>, vector<16xi32>], vector<16xf32>,
        %mul3A_139 = arith.mulf %gather3A_137, %gather3A_138 : vector<16xf32>
        %add3A_140 = arith.addf %add3A_134, %mul3A_139 : vector<16xf32>
        %broadcast_in_dim3A_141 = arith.constant 17 : i32
        %broadcast_in_dim3A_142 = vector.broadcast %broadcast_in_dim3A_141 : i32 to vector<16xi32>
        %gather3A_143 = tpu.vector_load_idx %arg15[%add3A_38, %broadcast_in_dim3A_142] : memref<256x32xf32, #tpu.memory_space<vmem>>[vector<16xi32>, vector<16xi32>], vector<16xf32>,
        %gather3A_144 = tpu.vector_load_idx %arg16[%add3A_38, %broadcast_in_dim3A_142] : memref<256x32xf32, #tpu.memory_space<vmem>>[vector<16xi32>, vector<16xi32>], vector<16xf32>,
        %mul3A_145 = arith.mulf %gather3A_143, %gather3A_144 : vector<16xf32>
        %add3A_146 = arith.addf %add3A_140, %mul3A_145 : vector<16xf32>
        %broadcast_in_dim3A_147 = arith.constant 18 : i32
        %broadcast_in_dim3A_148 = vector.broadcast %broadcast_in_dim3A_147 : i32 to vector<16xi32>
        %gather3A_149 = tpu.vector_load_idx %arg15[%add3A_38, %broadcast_in_dim3A_148] : memref<256x32xf32, #tpu.memory_space<vmem>>[vector<16xi32>, vector<16xi32>], vector<16xf32>,
        %gather3A_150 = tpu.vector_load_idx %arg16[%add3A_38, %broadcast_in_dim3A_148] : memref<256x32xf32, #tpu.memory_space<vmem>>[vector<16xi32>, vector<16xi32>], vector<16xf32>,
        %mul3A_151 = arith.mulf %gather3A_149, %gather3A_150 : vector<16xf32>
        %add3A_152 = arith.addf %add3A_146, %mul3A_151 : vector<16xf32>
        %broadcast_in_dim3A_153 = arith.constant 19 : i32
        %broadcast_in_dim3A_154 = vector.broadcast %broadcast_in_dim3A_153 : i32 to vector<16xi32>
        %gather3A_155 = tpu.vector_load_idx %arg15[%add3A_38, %broadcast_in_dim3A_154] : memref<256x32xf32, #tpu.memory_space<vmem>>[vector<16xi32>, vector<16xi32>], vector<16xf32>,
        %gather3A_156 = tpu.vector_load_idx %arg16[%add3A_38, %broadcast_in_dim3A_154] : memref<256x32xf32, #tpu.memory_space<vmem>>[vector<16xi32>, vector<16xi32>], vector<16xf32>,
        %mul3A_157 = arith.mulf %gather3A_155, %gather3A_156 : vector<16xf32>
        %add3A_158 = arith.addf %add3A_152, %mul3A_157 : vector<16xf32>
        %broadcast_in_dim3A_159 = arith.constant 20 : i32
        %broadcast_in_dim3A_160 = vector.broadcast %broadcast_in_dim3A_159 : i32 to vector<16xi32>
        %gather3A_161 = tpu.vector_load_idx %arg15[%add3A_38, %broadcast_in_dim3A_160] : memref<256x32xf32, #tpu.memory_space<vmem>>[vector<16xi32>, vector<16xi32>], vector<16xf32>,
        %gather3A_162 = tpu.vector_load_idx %arg16[%add3A_38, %broadcast_in_dim3A_160] : memref<256x32xf32, #tpu.memory_space<vmem>>[vector<16xi32>, vector<16xi32>], vector<16xf32>,
        %mul3A_163 = arith.mulf %gather3A_161, %gather3A_162 : vector<16xf32>
        %add3A_164 = arith.addf %add3A_158, %mul3A_163 : vector<16xf32>
        %broadcast_in_dim3A_165 = arith.constant 21 : i32
        %broadcast_in_dim3A_166 = vector.broadcast %broadcast_in_dim3A_165 : i32 to vector<16xi32>
        %gather3A_167 = tpu.vector_load_idx %arg15[%add3A_38, %broadcast_in_dim3A_166] : memref<256x32xf32, #tpu.memory_space<vmem>>[vector<16xi32>, vector<16xi32>], vector<16xf32>,
        %gather3A_168 = tpu.vector_load_idx %arg16[%add3A_38, %broadcast_in_dim3A_166] : memref<256x32xf32, #tpu.memory_space<vmem>>[vector<16xi32>, vector<16xi32>], vector<16xf32>,
        %mul3A_169 = arith.mulf %gather3A_167, %gather3A_168 : vector<16xf32>
        %add3A_170 = arith.addf %add3A_164, %mul3A_169 : vector<16xf32>
        %broadcast_in_dim3A_171 = arith.constant 22 : i32
        %broadcast_in_dim3A_172 = vector.broadcast %broadcast_in_dim3A_171 : i32 to vector<16xi32>
        %gather3A_173 = tpu.vector_load_idx %arg15[%add3A_38, %broadcast_in_dim3A_172] : memref<256x32xf32, #tpu.memory_space<vmem>>[vector<16xi32>, vector<16xi32>], vector<16xf32>,
        %gather3A_174 = tpu.vector_load_idx %arg16[%add3A_38, %broadcast_in_dim3A_172] : memref<256x32xf32, #tpu.memory_space<vmem>>[vector<16xi32>, vector<16xi32>], vector<16xf32>,
        %mul3A_175 = arith.mulf %gather3A_173, %gather3A_174 : vector<16xf32>
        %add3A_176 = arith.addf %add3A_170, %mul3A_175 : vector<16xf32>
        %broadcast_in_dim3A_177 = arith.constant 23 : i32
        %broadcast_in_dim3A_178 = vector.broadcast %broadcast_in_dim3A_177 : i32 to vector<16xi32>
        %gather3A_179 = tpu.vector_load_idx %arg15[%add3A_38, %broadcast_in_dim3A_178] : memref<256x32xf32, #tpu.memory_space<vmem>>[vector<16xi32>, vector<16xi32>], vector<16xf32>,
        %gather3A_180 = tpu.vector_load_idx %arg16[%add3A_38, %broadcast_in_dim3A_178] : memref<256x32xf32, #tpu.memory_space<vmem>>[vector<16xi32>, vector<16xi32>], vector<16xf32>,
        %mul3A_181 = arith.mulf %gather3A_179, %gather3A_180 : vector<16xf32>
        %add3A_182 = arith.addf %add3A_176, %mul3A_181 : vector<16xf32>
        %broadcast_in_dim3A_183 = arith.constant 24 : i32
        %broadcast_in_dim3A_184 = vector.broadcast %broadcast_in_dim3A_183 : i32 to vector<16xi32>
        %gather3A_185 = tpu.vector_load_idx %arg15[%add3A_38, %broadcast_in_dim3A_184] : memref<256x32xf32, #tpu.memory_space<vmem>>[vector<16xi32>, vector<16xi32>], vector<16xf32>,
        %gather3A_186 = tpu.vector_load_idx %arg16[%add3A_38, %broadcast_in_dim3A_184] : memref<256x32xf32, #tpu.memory_space<vmem>>[vector<16xi32>, vector<16xi32>], vector<16xf32>,
        %mul3A_187 = arith.mulf %gather3A_185, %gather3A_186 : vector<16xf32>
        %add3A_188 = arith.addf %add3A_182, %mul3A_187 : vector<16xf32>
        %broadcast_in_dim3A_189 = arith.constant 25 : i32
        %broadcast_in_dim3A_190 = vector.broadcast %broadcast_in_dim3A_189 : i32 to vector<16xi32>
        %gather3A_191 = tpu.vector_load_idx %arg15[%add3A_38, %broadcast_in_dim3A_190] : memref<256x32xf32, #tpu.memory_space<vmem>>[vector<16xi32>, vector<16xi32>], vector<16xf32>,
        %gather3A_192 = tpu.vector_load_idx %arg16[%add3A_38, %broadcast_in_dim3A_190] : memref<256x32xf32, #tpu.memory_space<vmem>>[vector<16xi32>, vector<16xi32>], vector<16xf32>,
        %mul3A_193 = arith.mulf %gather3A_191, %gather3A_192 : vector<16xf32>
        %add3A_194 = arith.addf %add3A_188, %mul3A_193 : vector<16xf32>
        %broadcast_in_dim3A_195 = arith.constant 26 : i32
        %broadcast_in_dim3A_196 = vector.broadcast %broadcast_in_dim3A_195 : i32 to vector<16xi32>
        %gather3A_197 = tpu.vector_load_idx %arg15[%add3A_38, %broadcast_in_dim3A_196] : memref<256x32xf32, #tpu.memory_space<vmem>>[vector<16xi32>, vector<16xi32>], vector<16xf32>,
        %gather3A_198 = tpu.vector_load_idx %arg16[%add3A_38, %broadcast_in_dim3A_196] : memref<256x32xf32, #tpu.memory_space<vmem>>[vector<16xi32>, vector<16xi32>], vector<16xf32>,
        %mul3A_199 = arith.mulf %gather3A_197, %gather3A_198 : vector<16xf32>
        %add3A_200 = arith.addf %add3A_194, %mul3A_199 : vector<16xf32>
        %broadcast_in_dim3A_201 = arith.constant 27 : i32
        %broadcast_in_dim3A_202 = vector.broadcast %broadcast_in_dim3A_201 : i32 to vector<16xi32>
        %gather3A_203 = tpu.vector_load_idx %arg15[%add3A_38, %broadcast_in_dim3A_202] : memref<256x32xf32, #tpu.memory_space<vmem>>[vector<16xi32>, vector<16xi32>], vector<16xf32>,
        %gather3A_204 = tpu.vector_load_idx %arg16[%add3A_38, %broadcast_in_dim3A_202] : memref<256x32xf32, #tpu.memory_space<vmem>>[vector<16xi32>, vector<16xi32>], vector<16xf32>,
        %mul3A_205 = arith.mulf %gather3A_203, %gather3A_204 : vector<16xf32>
        %add3A_206 = arith.addf %add3A_200, %mul3A_205 : vector<16xf32>
        %broadcast_in_dim3A_207 = arith.constant 28 : i32
        %broadcast_in_dim3A_208 = vector.broadcast %broadcast_in_dim3A_207 : i32 to vector<16xi32>
        %gather3A_209 = tpu.vector_load_idx %arg15[%add3A_38, %broadcast_in_dim3A_208] : memref<256x32xf32, #tpu.memory_space<vmem>>[vector<16xi32>, vector<16xi32>], vector<16xf32>,
        %gather3A_210 = tpu.vector_load_idx %arg16[%add3A_38, %broadcast_in_dim3A_208] : memref<256x32xf32, #tpu.memory_space<vmem>>[vector<16xi32>, vector<16xi32>], vector<16xf32>,
        %mul3A_211 = arith.mulf %gather3A_209, %gather3A_210 : vector<16xf32>
        %add3A_212 = arith.addf %add3A_206, %mul3A_211 : vector<16xf32>
        %broadcast_in_dim3A_213 = arith.constant 29 : i32
        %broadcast_in_dim3A_214 = vector.broadcast %broadcast_in_dim3A_213 : i32 to vector<16xi32>
        %gather3A_215 = tpu.vector_load_idx %arg15[%add3A_38, %broadcast_in_dim3A_214] : memref<256x32xf32, #tpu.memory_space<vmem>>[vector<16xi32>, vector<16xi32>], vector<16xf32>,
        %gather3A_216 = tpu.vector_load_idx %arg16[%add3A_38, %broadcast_in_dim3A_214] : memref<256x32xf32, #tpu.memory_space<vmem>>[vector<16xi32>, vector<16xi32>], vector<16xf32>,
        %mul3A_217 = arith.mulf %gather3A_215, %gather3A_216 : vector<16xf32>
        %add3A_218 = arith.addf %add3A_212, %mul3A_217 : vector<16xf32>
        %broadcast_in_dim3A_219 = arith.constant 30 : i32
        %broadcast_in_dim3A_220 = vector.broadcast %broadcast_in_dim3A_219 : i32 to vector<16xi32>
        %gather3A_221 = tpu.vector_load_idx %arg15[%add3A_38, %broadcast_in_dim3A_220] : memref<256x32xf32, #tpu.memory_space<vmem>>[vector<16xi32>, vector<16xi32>], vector<16xf32>,
        %gather3A_222 = tpu.vector_load_idx %arg16[%add3A_38, %broadcast_in_dim3A_220] : memref<256x32xf32, #tpu.memory_space<vmem>>[vector<16xi32>, vector<16xi32>], vector<16xf32>,
        %mul3A_223 = arith.mulf %gather3A_221, %gather3A_222 : vector<16xf32>
        %add3A_224 = arith.addf %add3A_218, %mul3A_223 : vector<16xf32>
        %broadcast_in_dim3A_225 = arith.constant 31 : i32
        %broadcast_in_dim3A_226 = vector.broadcast %broadcast_in_dim3A_225 : i32 to vector<16xi32>
        %gather3A_227 = tpu.vector_load_idx %arg15[%add3A_38, %broadcast_in_dim3A_226] : memref<256x32xf32, #tpu.memory_space<vmem>>[vector<16xi32>, vector<16xi32>], vector<16xf32>,
        %gather3A_228 = tpu.vector_load_idx %arg16[%add3A_38, %broadcast_in_dim3A_226] : memref<256x32xf32, #tpu.memory_space<vmem>>[vector<16xi32>, vector<16xi32>], vector<16xf32>,
        %mul3A_229 = arith.mulf %gather3A_227, %gather3A_228 : vector<16xf32>
        %add3A_230 = arith.addf %add3A_224, %mul3A_229 : vector<16xf32>
        %mul3A_231 = arith.constant 256 : i32
        %mul3A_232 = arith.muli %scan3A_8, %mul3A_231 : i32
        %mul3A_233 = arith.constant 16 : i32
        %mul3A_234 = arith.muli %scan3A_34, %mul3A_233 : i32
        %add3A_235 = arith.addi %mul3A_232, %mul3A_234 : i32
        %multiple_of3A = tpu.assume_multiple %add3A_235, 16 : i32
        %swap3A = arith.index_cast %multiple_of3A : i32 to index
        %swap3A_236 = tpu.vector_load %arg17[%swap3A] {strides = array<i32>} : memref<512xf32, #tpu.memory_space<vmem>>, vector<16xf32>,
        tpu.vector_store %arg17[%swap3A], %add3A_230 {strides = array<i32>} : memref<512xf32, #tpu.memory_space<vmem>>, vector<16xf32>,
      }
      %scan3A_33 = arith.constant 16 : i32
    }
    %scan3A_7 = arith.constant 2 : i32
    "tpu.region"() ({
      %run_scoped3A = tpu.sem_alloc : memref<!tpu.dma_semaphore, #tpu.memory_space<semaphore_mem>>
      %dma_start3A = tpu.memref_slice %arg6[%mul3A_2] : memref<16384xf32, #tpu.memory_space<hbm>> -> memref<512xf32, #tpu.memory_space<hbm>>
      %dma_start3A_8 = tpu.memref_slice %arg6[%mul3A_2] : memref<16384xf32, #tpu.memory_space<hbm>> -> memref<512xf32, #tpu.memory_space<hbm>>
      tpu.enqueue_dma source(%arg17 : memref<512xf32, #tpu.memory_space<vmem>>) target(%dma_start3A_8 : memref<512xf32, #tpu.memory_space<hbm>>) target_semaphore(%run_scoped3A : memref<!tpu.dma_semaphore, #tpu.memory_space<semaphore_mem>>)
      %dma_wait3A = tpu.memref_slice %arg6[%mul3A_2] : memref<16384xf32, #tpu.memory_space<hbm>> -> memref<512xf32, #tpu.memory_space<hbm>>
      %dma_wait3A_9 = tpu.memref_slice %arg6[%mul3A_2] : memref<16384xf32, #tpu.memory_space<hbm>> -> memref<512xf32, #tpu.memory_space<hbm>>
      tpu.wait_dma2 semaphore(%run_scoped3A : memref<!tpu.dma_semaphore, #tpu.memory_space<semaphore_mem>>) src(%arg17 : memref<512xf32, #tpu.memory_space<vmem>>) dst(%dma_wait3A_9 : memref<512xf32, #tpu.memory_space<hbm>>)
      tpu.yield
    }) : () -> ()
    return
  }
}

</mosaic_0001>

<sc_bundles>
// kernel: kernel.3.cloned.1.call-start
scs
__scs_entry_jumppad:
0x0: {  	(pc) =	sbr.rel $0x88, $3  }
0x1: {  	(tag) =	ssettag $0x0;
	lr =	simm.s32 $0x1  }
0x2: {  	[smem:$0x3F9D] =	sst lr;
	_ =	strace $0xD0000000  }
0x3: {  	_ = 	snop  }
0x4: {  	_ = 	snop  }
0x5: {  	_ = 	snop  }
0x6: {  	_ = 	snop  }
0x7: {  	_ = 	snop  }
__scs_overlays_trampoline_lowered:
0x8: {  	[smem:$0x3FAC] =	sst s0  }
0x9: {  	[smem:$0x3FAD] =	sst s1  }
0xa: {  	[smem:$0x3FAE] =	sst s2  }
0xb: {  	[smem:$0x3FAF] =	sst s3  }
0xc: {  	[smem:$0x3FB0] =	sst s4  }
0xd: {  	[smem:$0x3FB1] =	sst s5  }
0xe: {  	[smem:$0x3FB2] =	sst s6  }
0xf: {  	[smem:$0x3FB3] =	sst s7  }
0x10: {  	[smem:$0x3FB4] =	sst s8  }
0x11: {  	[smem:$0x3FB5] =	sst s9;
	s0 =	simm.s32 @!p0 $0x0  }
0x12: {  	s1 =	sld [smem:$0x3F9B];
	s0 =	simm.s32 @p0 $0x1  }
0x13: {  	[smem:$0x3FB6] =	sst s0;
	s0 =	simm.s32 @!p1 $0x0  }
0x14: {  	s2 =	sld [smem:$0x3F9A];
	s0 =	simm.s32 @p1 $0x1  }
0x15: {  	[smem:$0x3FB7] =	sst s0;
	s0 =	simm.s32 @!p2 $0x0  }
0x16: {  	s3 =	sld [smem:$0x3FDB];
	s0 =	simm.s32 @p2 $0x1  }
0x17: {  	s4 =	simm.s32 $0x1BF5;
	[smem:$0x3FB9] =	sst s0  }
0x18: {  	s0 =	sld [smem:$0x3F9C];
	_ =	swait.ge [sflag:s4], $0x0  }
0x19: {  	s7 =	sld [smem:$0x3F9D]  }
0x1a: {  	s8 =	sadd.s32 $0xFFFFE003, lr  }
0x1b: {  	s9 =	sadd.s32 $0xFFFFFEF7, lr;
	s5 =	simm.s32 $0xFFFFFFFF;
	p2 =	slt.u32 s8, $0xFFFFF086  }
0x1c: {  	p1 =	slt.u32 s9, $0xF7A;
	s5 =	simm.s32 @!p2 $0x0  }
0x1d: {  	s5 =	simm.s32 @p1 $0x1;
	p0 =	seq.s32 s7, s2  }
0x1e: {  	s7 =	smul.u32 @!p0 $0xF7A, s2;
	p2 =	seq.s32 @!p0 s5, $0x0  }
0x1f: {  	s9 =	smul.u32 $0xF7A, s1;
	s8 =	simm.s32 @!p0 $0x1BF5;
	p2 =	por !p2, p0  }
0x20: {  	[sflag:s8] =	ssyncset.s32 @!p0 $0xFFFFF086;
	s6 =	sadd.s32 @!p0 s3, s7;
	s7 =	simm.s32 @!p0 $0x108  }
0x21: {  	s3 =	sadd.s32 s3, s9;
	s6 =	sadd.s32 @!p0 $0x88, s6;
	s7 =	simm.s32 @p2 $0x1082  }
0x22: {  	[simem:s7], [sflag:s8] =	dma.local @!p0 [hbm:s6], $0xF7A  }
0x23: {  	s9 =	sor.u32 $0xD0000000, s2;
	s6 =	simm.s32 $0x108;
	_ =	swait.ge @!p0 [sflag:s8], $0x0  }
0x24: {  	s3 =	sadd.s32 $0x88, s3;
	s6 =	simm.s32 @!p1 $0x1082;
	[sflag:s4] =	ssyncset.s32 $0xFFFFF086  }
0x25: {  	[simem:s6], [sflag:s4] =	dma.local [hbm:s3], $0xF7A  }
0x26: {  	[smem:$0x3F9D] =	sst s1;
	(tag) =	ssettag s2;
	_ =	strace s9  }
0x27: {  	s1 =	sld [smem:$0x3FAD]  }
0x28: {  	s2 =	sld [smem:$0x3FAE]  }
0x29: {  	s4 =	sld [smem:$0x3FB0]  }
0x2a: {  	p0 =	seq.s32 s5, $0x0;
	s5 =	sld [smem:$0x3FB1]  }
0x2b: {  	s6 =	sld [smem:$0x3FB2]  }
0x2c: {  	s7 =	sld [smem:$0x3FB3]  }
0x2d: {  	s3 =	simm.s32 $0x108;
	s8 =	sld [smem:$0x3FB4]  }
0x2e: {  	s3 =	simm.s32 @!p0 $0x1082;
	s9 =	sld [smem:$0x3FB5]  }
0x2f: {  	lr =	sadd.s32 s0, s3;
	s0 =	sld [smem:$0x3FAC]  }
0x30: {  	s3 =	sld [smem:$0x3FAF]  }
0x31: {  	[smem:$0x3FB8] =	sst s10  }
0x32: {  	s10 =	sld [smem:$0x3FB6];
	_ =	sdelay $0x3  }
0x33: {  	p0 =	seq.s32 s10, $0x1;
	s10 =	sld [smem:$0x3FB8];
	_ =	sdelay $0x3  }
0x34: {  	[smem:$0x3FB8] =	sst s10  }
0x35: {  	s10 =	sld [smem:$0x3FB7];
	_ =	sdelay $0x3  }
0x36: {  	p1 =	seq.s32 s10, $0x1;
	s10 =	sld [smem:$0x3FB8];
	_ =	sdelay $0x3  }
0x37: {  	[smem:$0x3FB8] =	sst s10  }
0x38: {  	s10 =	sld [smem:$0x3FB9]  }
0x39: {  	_ = 	snop;
	(pc) =	sbr.ind lr, $3  }
0x3a: {  	_ = 	snop  }
0x3b: {  	_ = 	snop  }
0x3c: {  	p2 =	seq.s32 s10, $0x1;
	s10 =	sld [smem:$0x3FB8]  }
0x3d: {  	_ =	shalt  }
0x3e: {  	_ =	shalt  }
0x3f: {  	_ =	shalt  }
0x40: {  	_ =	shalt  }
0x41: {  	_ =	shalt  }
0x42: {  	_ =	shalt  }
0x43: {  	_ =	shalt  }
0x44: {  	_ =	shalt  }
0x45: {  	_ =	shalt  }
0x46: {  	_ =	shalt  }
0x47: {  	_ =	shalt  }
0x48: {  	_ =	shalt  }
0x49: {  	_ =	shalt  }
0x4a: {  	_ =	shalt  }
0x4b: {  	_ =	shalt  }
0x4c: {  	_ =	shalt  }
0x4d: {  	_ =	shalt  }
0x4e: {  	_ =	shalt  }
0x4f: {  	_ =	shalt  }
0x50: {  	_ =	shalt  }
0x51: {  	_ =	shalt  }
0x52: {  	_ =	shalt  }
0x53: {  	_ =	shalt  }
0x54: {  	_ =	shalt  }
0x55: {  	_ =	shalt  }
0x56: {  	_ =	shalt  }
0x57: {  	_ =	shalt  }
0x58: {  	_ =	shalt  }
0x59: {  	_ =	shalt  }
0x5a: {  	_ =	shalt  }
0x5b: {  	_ =	shalt  }
0x5c: {  	_ =	shalt  }
0x5d: {  	_ =	shalt  }
0x5e: {  	_ =	shalt  }
0x5f: {  	_ =	shalt  }
0x60: {  	_ =	shalt  }
0x61: {  	_ =	shalt  }
0x62: {  	_ =	shalt  }
0x63: {  	_ =	shalt  }
0x64: {  	_ =	shalt  }
0x65: {  	_ =	shalt  }
0x66: {  	_ =	shalt  }
0x67: {  	_ =	shalt  }
0x68: {  	_ =	shalt  }
0x69: {  	_ =	shalt  }
0x6a: {  	_ =	shalt  }
0x6b: {  	_ =	shalt  }
0x6c: {  	_ =	shalt  }
0x6d: {  	_ =	shalt  }
0x6e: {  	_ =	shalt  }
0x6f: {  	_ =	shalt  }
0x70: {  	_ =	shalt  }
0x71: {  	_ =	shalt  }
0x72: {  	_ =	shalt  }
0x73: {  	_ =	shalt  }
0x74: {  	_ =	shalt  }
0x75: {  	_ =	shalt  }
0x76: {  	_ =	shalt  }
0x77: {  	_ =	shalt  }
0x78: {  	_ =	shalt  }
0x79: {  	_ =	shalt  }
0x7a: {  	_ =	shalt  }
0x7b: {  	_ =	shalt  }
0x7c: {  	_ =	shalt  }
0x7d: {  	_ =	shalt  }
0x7e: {  	_ =	shalt  }
0x7f: {  	_ =	shalt  }
0x80: {  	_ =	shalt  }
0x81: {  	_ =	shalt  }
0x82: {  	_ =	shalt  }
0x83: {  	_ =	shalt  }
0x84: {  	_ =	shalt  }
0x85: {  	_ =	shalt  }
0x86: {  	_ =	shalt  }
0x87: {  	_ =	shalt  }
.Lfunc_end0:
.L_simem_size_0:
called_computation_lowered:
.L_overlay_start_0:
0x88: {  	s2 =	sld [smem:$0x3FD9]  }
0x89: {  	s3 =	sld [smem:$0x3FFE];
	_ =	sdelay $0x1  }
0x8a: {  	s1 =	srdreg.scid  }
0x8b: {  	s0 =	sand.u32 $0x1, s1  }
0x8c: {  	s17 =	sshll.u32 s0, $0xA;
	s2 =	sadd.s32 s3, s2  }
0x8d: {  	s2 =	sadd.s32 s2, s17  }
0x8e: {  	[smem:$0x3FC4] =	sst s2  }
0x8f: {  	_ = 	snop  }
0x90: {  	s2 =	sld [smem:$0x3FD0];
	(tm) =	ssettm $0x1  }
0x91: {  	s18 =	sld [smem:$0x3FFB];
	_ =	sdelay $0x3  }
0x92: {  	_ =	strace s18  }
0x93: {  	s3 =	sld [smem:$0x3FFC];
	_ =	sdelay $0x3  }
0x94: {  	_ =	strace s3  }
0x95: {  	s3 =	sld [smem:$0x3FFD];
	_ =	sdelay $0x3  }
0x96: {  	_ =	strace s3  }
0x97: {  	_ =	strace $0x8FFFFFFF  }
0x98: {  	s19 =	sld [smem:$0x3FDB];
	_ =	sdelay $0x1  }
0x99: {  	s4 =	simm.s32 $_scs_section_size  }
0x9a: {  	s5 =	simm.s32 $_size__tile_overlayer_lowered;
	s6 =	simm.s32 $_tile_overlayer_lowered  }
0x9b: {  	s22 =	simm.s32 $0x1BFF;
	s21 =	sshll.u32 s6, $0x1;
	s3 =	sadd.s32 s4, s19  }
0x9c: {  	s7 =	simm.s32 $0x0;
	s20 =	sshll.u32 s5, $0x1;
	s5 =	sadd.s32 s21, s3  }
0x9d: {  	[timem:s7], [sflag:s22] =	dma.local [hbm:s5], s20  }
0x9e: {  	_ =	swait.ge [sflag:s22], s20  }
0x9f: {  	s4 =	ssub.s32 $0x0, s20;
	[sflag:s22] =	ssyncset.done $0x0  }
0xa0: {  	[sflag:s22] =	ssyncadd.s32 s4;
	_ =	sdelay $0x1  }
0xa1: {  	s23 =	simm.s32 $0x1B8B  }
0xa2: {  	_ =	swait.ge [sflag:s23], $0x1  }
0xa3: {  	[sflag:s23] =	ssyncset.done $0x0  }
0xa4: {  	s25 =	simm.s32 $0x1B8E;
	s24 =	sld [smem:$0x3FFE];
	[sflag:s23] =	ssyncadd.s32 $0xFFFFFFFF  }
0xa5: {  	s26 =	simm.s32 $execute0_lowered;
	[smem:$0x3FD2] =	sst s25  }
0xa6: {  	s5 =	sshll.u32 s26, $0x1;
	_ =	strace $0x80000046;
	[dreg:$0x1] =	wrdreg $0xFFFFFFFF  }
0xa7: {  	s28 =	simm.s32 $_size_execute0_lowered;
	s3 =	sadd.s32 s3, s5;
	[dreg:$0x0] =	wrdreg $0x0  }
0xa8: {  	s5 =	sshll.u32 s28, $0x1;
	[dreg:$0x2] =	wrdreg s3  }
0xa9: {  	[dreg:$0x3] =	wrdreg s5  }
0xaa: {  	[dreg:$0x4] =	wrdreg $0xC0  }
0xab: {  	_ =	task [dreg:s7], $0x5FFFF  }
0xac: {  	[dreg:$0x1] =	wrdreg $0xFFFFFFFF  }
0xad: {  	[dreg:$0x0] =	wrdreg $0x60  }
0xae: {  	[dreg:$0x2] =	wrdreg s24  }
0xaf: {  	[dreg:$0x3] =	wrdreg s2  }
0xb0: {  	[dreg:$0x4] =	wrdreg $0x8000  }
0xb1: {  	[dreg:$0x5] =	wrdreg $0x28000  }
0xb2: {  	[dreg:$0x6] =	wrdreg $0x4000  }
0xb3: {  	[dreg:$0x7] =	wrdreg $0x6000  }
0xb4: {  	[dreg:$0x8] =	wrdreg $0x9  }
0xb5: {  	_ =	task.clear_ibuf [dreg:s7], $0x9FFFF;
	_ =	strace $0x90000046  }
0xb6: {  	s29 =	simm.s32 $0x9;
	_ =	strace $0x80000048  }
0xb7: {  	_ =	swait.ge [sflag:s29], $0x1  }
0xb8: {  	[sflag:s29] =	ssyncadd.s32 $0xFFFFFFFF  }
0xb9: {  	_ =	strace $0x90000048  }
0xba: {  	_ =	sfence  }
0xbb: {  	s30 =	sld [smem:$0x0];
	_ =	sdelay $0x2  }
0xbc: {  	s31 =	sshll.u32 s1, $0xD;
	s1 =	sshrl.u32 s1, $0x2  }
0xbd: {  	s3 =	sand.u32 $0x4000, s31;
	s1 =	sadd.s32 s1, s30  }
0xbe: {  	s0 =	sor.u32 s3, s0;
	s1 =	sshll.u32 s1, $0x11  }
0xbf: {  	s0 =	sor.u32 s1, s0  }
0xc0: {  	s0 =	sadd.s32 $0x8F2B, s0  }
0xc1: {  	[sflag:s0] =	ssyncadd.remote.s32 $0x1  }
0xc2: {  	_ =	sfence.sel $0xFFFF  }
0xc3: {  	[dreg:$0x0] =	wrdreg $0xFFFFFFFF;
	(pc) =	sbr.abs _section_cstart, $3  }
0xc4: {  	[dreg:$0x1] =	wrdreg $0xFFFFFFFF  }
0xc5: {  	_ =	task.clear_ibuf [dreg:s7], $0x2FFFF;
	_ =	strace $0x9FFFFFFF  }
0xc6: {  	(tm) =	ssettm $0x7FFFFFFF  }
0xc7: {  	_ =	shalt  }
tec
execute0_lowered:
.L_overlay_start_1:
0x0: {  	(tag) =	ssettag $0x1  }
0x1: {  	s0 =	rddreg [dreg:$0x0]  }
0x2: {  	s1 =	rddreg [dreg:$0x1]  }
0x3: {  	s9 =	rddreg [dreg:$0x2]  }
0x4: {  	s10 =	rddreg [dreg:$0x3]  }
0x5: {  	s2 =	srdreg.scid;
	s7 =	rddreg [dreg:$0x4]  }
0x6: {  	s15 =	stileid.u32;
	s8 =	rddreg [dreg:$0x5]  }
0x7: {  	s19 =	simm.s32 $0x80;
	s30 =	simm.s32 $0x4800;
	s31 =	simm.s32 $0xC800  }
0x8: {  	s4 =	sand.u32 $0x1, s2;
	s20 =	sshll.u32 s15, $0x1;
	s5 =	sshll.u32 s15, $0x7  }
0x9: {  	s2 =	simm.s32 $0x0;
	s21 =	sshll.u32 s15, $0x9;
	s24 =	sshll.u32 s15, $0xF  }
0xa: {  	s11 =	sor.u32 s4, s20;
	[smem:$0x7FF] =	sst s2;
	s12 =	ssub.s32 $0x2, s4  }
0xb: {  	s14 =	sand.u32 $0x1000, s21;
	s4 =	sadd.s32 $0xF43800, s0;
	s9 =	sadd.s32 s24, s9  }
0xc: {  	s10 =	sadd.s32 s24, s10;
	s21 =	simm.s32 $0x2;
	s24 =	simm.s32 $0x0  }
0xd: {  	s3 =	sshll.u32 s11, $0x4;
	_ =	strace $0x80000047;
	s13 =	sshrl.u32 s12, $0x1  }
0xe: {  	s11 =	sshll.u32 s11, $0x6;
	s3 =	sor.u32 s5, s3;
	s5 =	sand.u32 $0x380, s5  }
0xf: {  	s22 =	ssub.s32 s12, s13;
	s1 =	sadd.s32 s1, s11;
	s3 =	sand.u32 $0x670, s3  }
0x10: {  	s23 =	sor.u32 s5, s14;
	[dreg:$0x7] =	wrdreg s1;
	s6 =	sadd.s32 s3, s0  }
0x11: {  	s3 =	sadd.s32 $0x1400, s0;
	s7 =	sadd.s32 s23, s7;
	s0 =	smax.u32 s22, $0x1  }
0x12: {  	s8 =	sadd.s32 s23, s8;
	[dreg:$0x8] =	wrdreg s0;
	s25 =	sadd.s32 $0x400, s7  }
0x13: {  	s23 =	simm.s32 $0x1;
	s26 =	sadd.s32 $0x800, s7;
	[dreg:$0x9] =	wrdreg s25  }
0x14: {  	v0 =	vlaneseq.u32;
	s5 =	sadd.s32 $0x400, s6;
	s28 =	sadd.s32 $0xC00, s7;
	[dreg:$0xa] =	wrdreg s26  }
0x15: {  	v0 =	vmul.u32 $0x80, v0;
	s6 =	sadd.s32 $0xC00, s6;
	s29 =	sadd.s32 $0x400, s8;
	[dreg:$0xb] =	wrdreg s28  }
0x16: {  	s17 =	sadd.s32 $0x800, s8;
	s18 =	sadd.s32 $0xC00, s8;
	[dreg:$0xc] =	wrdreg s29  }
.LBB2_1:
0x17: {  	s0 =	simm.s32 $0x400  }
0x18: {  	[tilespmem:s2], [sflag:$0x2] =	stream.strided.gather [hbm4b:s5+s19], $0x200, s0, s19, $0x38;
	[tilespmem:$0x14A00] =	vst v63  }
0x19: {  	_ =	swait.ge [sflag:s21], $0x200  }
0x1a: {  	[sflag:s21] =	ssyncset.done $0x0  }
0x1b: {  	s11 =	simm.s32 $0x200;
	[sflag:s21] =	ssyncadd.s32 $0xFFFFFE00  }
0x1c: {  	[tilespmem:s11], [sflag:$0x2] =	stream.strided.gather [hbm4b:s6+s19], $0x200, s0, s19, $0x38;
	[tilespmem:$0x14A00] =	vst v63  }
0x1d: {  	s13 =	stileid.u32;
	_ =	swait.ge [sflag:s21], $0x200  }
0x1e: {  	s25 =	sshll.u32 s13, $0x6;
	[sflag:s21] =	ssyncset.done $0x0  }
0x1f: {  	s1 =	sshrl.u32 s7, $0x3;
	s0 =	sor.u32 $0x1C02, s25;
	[sflag:s21] =	ssyncadd.s32 $0xFFFFFE00  }
0x20: {  	[spmem:s1@s19], [sflag:s0] =	dma.strided [hbm:s5@s19], $0x40, s23, $0x10   }
0x21: {  	_ =	swait.ge [sflag:s21], $0x40  }
0x22: {  	[sflag:s21] =	ssyncset.done $0x0  }
0x23: {  	s14 =	sshrl.u32 s8, $0x3;
	[sflag:s21] =	ssyncadd.s32 $0xFFFFFFC0  }
0x24: {  	[spmem:s14@s19], [sflag:s0] =	dma.strided [hbm:s6@s19], $0x40, s23, $0x10   }
0x25: {  	_ =	swait.ge [sflag:s21], $0x40  }
0x26: {  	[sflag:s21] =	ssyncset.done $0x0  }
0x27: {  	[sflag:s21] =	ssyncadd.s32 $0xFFFFFFC0  }
0x28: {  	[smem:s2], [sflag:$0x2] =	stream.linear.gather [spmem:s7], $0x80, $0x38;
	[tilespmem:$0x14A00] =	vst v63  }
0x29: {  	s15 =	rddreg [dreg:$0x9]  }
0x2a: {  	[smem:s19], [sflag:$0x2] =	stream.linear.gather [spmem:s15], $0x80, $0x38;
	[tilespmem:$0x14A00] =	vst v63  }
0x2b: {  	s16 =	simm.s32 $0x100;
	s0 =	rddreg [dreg:$0xa]  }
0x2c: {  	[smem:s16], [sflag:$0x2] =	stream.linear.gather [spmem:s0], $0x80, $0x38;
	[tilespmem:$0x14A00] =	vst v63  }
0x2d: {  	s20 =	simm.s32 $0x180;
	s0 =	rddreg [dreg:$0xb]  }
0x2e: {  	[smem:s20], [sflag:$0x2] =	stream.linear.gather [spmem:s0], $0x80, $0x38;
	[tilespmem:$0x14A00] =	vst v63  }
0x2f: {  	_ =	swait.ge [sflag:s21], $0x200  }
0x30: {  	[sflag:s21] =	ssyncset.done $0x0  }
0x31: {  	[sflag:s21] =	ssyncadd.s32 $0xFFFFFE00  }
0x32: {  	[smem:s11], [sflag:$0x2] =	stream.linear.gather [spmem:s8], $0x80, $0x38;
	[tilespmem:$0x14A00] =	vst v63  }
0x33: {  	s26 =	simm.s32 $0x280;
	s22 =	rddreg [dreg:$0xc]  }
0x34: {  	[smem:s26], [sflag:$0x2] =	stream.linear.gather [spmem:s22], $0x80, $0x38;
	[tilespmem:$0x14A00] =	vst v63  }
0x35: {  	s28 =	simm.s32 $0x300  }
0x36: {  	[smem:s28], [sflag:$0x2] =	stream.linear.gather [spmem:s17], $0x80, $0x38;
	[tilespmem:$0x14A00] =	vst v63  }
0x37: {  	s29 =	simm.s32 $0x380  }
0x38: {  	[smem:s29], [sflag:$0x2] =	stream.linear.gather [spmem:s18], $0x80, $0x38;
	[tilespmem:$0x14A00] =	vst v63  }
0x39: {  	_ =	swait.ge [sflag:s21], $0x200  }
0x3a: {  	[sflag:s21] =	ssyncset.done $0x0  }
0x3b: {  	p1 =	por $0x1, $0x1;
	s0 =	simm.s32 $0x0;
	[sflag:s21] =	ssyncadd.s32 $0xFFFFFE00  }
.LBB2_2:
0x3c: {  	s0 =	sshll.u32 s0, $0x8  }
0x3d: {  	s29 =	sand.u32 $0x3FFFFF00, s0  }
0x3e: {  	s0 =	sor.u32 $0x2, s29  }
0x3f: {  	s1 =	sld [smem:s0+$0xFFFFFFFE];
	_ =	sdelay $0x2  }
0x40: {  	s20 =	sadd.s32 $0x0, s9;
	s1 =	sshll.u32 s1, $0x4  }
0x41: {  	s26 =	sshrl.u32 s20, $0x3;
	s1 =	sand.u32 $0x1FFFFFF0, s1  }
0x42: {  	s11 =	sadd.s32 $0x202, s29;
	s22 =	sadd.s32 s3, s1;
	s1 =	sor.u32 $0x1C01, s25  }
0x43: {  	[spmem:s26], [sflag:s1] =	dma.local [hbm:s22], $0x10  }
0x44: {  	s22 =	sld [smem:s11+$0xFFFFFFFE];
	_ =	sdelay $0x2  }
0x45: {  	s22 =	sshll.u32 s22, $0x4  }
0x46: {  	s28 =	sadd.s32 $0x0, s10;
	s22 =	sand.u32 $0x1FFFFFF0, s22  }
0x47: {  	s12 =	sshrl.u32 s28, $0x3;
	s22 =	sadd.s32 s4, s22  }
0x48: {  	[spmem:s12], [sflag:s1] =	dma.local [hbm:s22], $0x10  }
0x49: {  	s22 =	sld [smem:s0+$0xFFFFFFFF];
	_ =	sdelay $0x2  }
0x4a: {  	s22 =	sshll.u32 s22, $0x4  }
0x4b: {  	s13 =	sadd.s32 $0x80, s20;
	s22 =	sand.u32 $0x1FFFFFF0, s22  }
0x4c: {  	s26 =	sshrl.u32 s13, $0x3;
	s22 =	sadd.s32 s3, s22  }
0x4d: {  	[spmem:s26], [sflag:s1] =	dma.local [hbm:s22], $0x10  }
0x4e: {  	s22 =	sld [smem:s11+$0xFFFFFFFF];
	_ =	sdelay $0x2  }
0x4f: {  	s22 =	sshll.u32 s22, $0x4  }
0x50: {  	s14 =	sadd.s32 $0x80, s28;
	s22 =	sand.u32 $0x1FFFFFF0, s22  }
0x51: {  	s26 =	sshrl.u32 s14, $0x3;
	s22 =	sadd.s32 s4, s22  }
0x52: {  	[spmem:s26], [sflag:s1] =	dma.local [hbm:s22], $0x10  }
0x53: {  	s22 =	sld [smem:s0+$0x0];
	_ =	sdelay $0x2  }
0x54: {  	s22 =	sshll.u32 s22, $0x4  }
0x55: {  	s15 =	sadd.s32 $0x100, s20;
	s22 =	sand.u32 $0x1FFFFFF0, s22  }
0x56: {  	s26 =	sshrl.u32 s15, $0x3;
	s22 =	sadd.s32 s3, s22  }
0x57: {  	[spmem:s26], [sflag:s1] =	dma.local [hbm:s22], $0x10  }
0x58: {  	s22 =	sld [smem:s11+$0x0];
	_ =	sdelay $0x2  }
0x59: {  	s22 =	sshll.u32 s22, $0x4  }
0x5a: {  	s16 =	sadd.s32 $0x100, s28;
	s22 =	sand.u32 $0x1FFFFFF0, s22  }
0x5b: {  	s26 =	sshrl.u32 s16, $0x3;
	s22 =	sadd.s32 s4, s22  }
0x5c: {  	[spmem:s26], [sflag:s1] =	dma.local [hbm:s22], $0x10  }
0x5d: {  	s22 =	sld [smem:s0+$0x1];
	_ =	sdelay $0x2  }
0x5e: {  	s22 =	sshll.u32 s22, $0x4  }
0x5f: {  	s20 =	sadd.s32 $0x180, s20;
	s22 =	sand.u32 $0x1FFFFFF0, s22  }
0x60: {  	s20 =	sshrl.u32 s20, $0x3;
	s22 =	sadd.s32 s3, s22  }
0x61: {  	[spmem:s20], [sflag:s1] =	dma.local [hbm:s22], $0x10  }
0x62: {  	s20 =	sld [smem:s11+$0x1];
	_ =	sdelay $0x2  }
0x63: {  	p0 =	por p1, p1;
	s12 =	sadd.s32 $0x180, s28;
	s20 =	sshll.u32 s20, $0x4  }
0x64: {  	s28 =	sadd.s32 $0x4, s0;
	s26 =	simm.s32 $0x800;
	s20 =	sand.u32 $0x1FFFFFF0, s20  }
0x65: {  	s0 =	sadd.s32 $0x4, s11;
	s22 =	sadd.s32 s4, s20;
	s20 =	sshrl.u32 s12, $0x3  }
.LBB2_3:
0x66: {  	[spmem:s20], [sflag:s1] =	dma.local [hbm:s22], $0x10  }
0x67: {  	s11 =	smov.u32 s26  }
0x68: {  	p1 =	sne.s32 s26, $0x1F800;
	s26 =	sadd.s32 $0x800, s26;
	s12 =	sld [smem:s28+$0xFFFFFFFE]  }
0x69: {  	_ =	sdelay $0x1  }
0x6a: {  	s11 =	sshra.s32 s11, $0x2;
	s12 =	sshll.u32 s12, $0x4  }
0x6b: {  	s20 =	sadd.s32 s11, s9;
	s11 =	sadd.s32 s11, s10;
	s12 =	sand.u32 $0x1FFFFFF0, s12  }
0x6c: {  	s22 =	sshrl.u32 s20, $0x3;
	s12 =	sadd.s32 s3, s12  }
0x6d: {  	[spmem:s22], [sflag:s1] =	dma.local [hbm:s12], $0x10  }
0x6e: {  	s13 =	sadd.s32 $0x80, s20;
	s14 =	sadd.s32 $0x80, s11;
	s12 =	sld [smem:s0+$0xFFFFFFFE]  }
0x6f: {  	s15 =	sadd.s32 $0x100, s20;
	s16 =	sadd.s32 $0x100, s11;
	s22 =	sadd.s32 $0x180, s20  }
0x70: {  	s20 =	sadd.s32 $0x180, s11  }
0x71: {  	s12 =	sshll.u32 s12, $0x4  }
0x72: {  	s12 =	sand.u32 $0x1FFFFFF0, s12  }
0x73: {  	s11 =	sshrl.u32 s11, $0x3;
	s12 =	sadd.s32 s4, s12  }
0x74: {  	[spmem:s11], [sflag:s1] =	dma.local [hbm:s12], $0x10  }
0x75: {  	s11 =	sld [smem:s28+$0xFFFFFFFF];
	_ =	sdelay $0x2  }
0x76: {  	s11 =	sshll.u32 s11, $0x4  }
0x77: {  	s11 =	sand.u32 $0x1FFFFFF0, s11  }
0x78: {  	s12 =	sshrl.u32 s13, $0x3;
	s11 =	sadd.s32 s3, s11  }
0x79: {  	[spmem:s12], [sflag:s1] =	dma.local [hbm:s11], $0x10  }
0x7a: {  	s11 =	sld [smem:s0+$0xFFFFFFFF];
	_ =	sdelay $0x2  }
0x7b: {  	s11 =	sshll.u32 s11, $0x4  }
0x7c: {  	s11 =	sand.u32 $0x1FFFFFF0, s11  }
0x7d: {  	s12 =	sshrl.u32 s14, $0x3;
	s11 =	sadd.s32 s4, s11  }
0x7e: {  	[spmem:s12], [sflag:s1] =	dma.local [hbm:s11], $0x10  }
0x7f: {  	s11 =	sld [smem:s28+$0x0];
	_ =	sdelay $0x2  }
0x80: {  	s11 =	sshll.u32 s11, $0x4  }
0x81: {  	s11 =	sand.u32 $0x1FFFFFF0, s11  }
0x82: {  	s12 =	sshrl.u32 s15, $0x3;
	s11 =	sadd.s32 s3, s11  }
0x83: {  	[spmem:s12], [sflag:s1] =	dma.local [hbm:s11], $0x10  }
0x84: {  	s11 =	sld [smem:s0+$0x0];
	_ =	sdelay $0x2  }
0x85: {  	s11 =	sshll.u32 s11, $0x4  }
0x86: {  	s11 =	sand.u32 $0x1FFFFFF0, s11  }
0x87: {  	s12 =	sshrl.u32 s16, $0x3;
	s11 =	sadd.s32 s4, s11  }
0x88: {  	[spmem:s12], [sflag:s1] =	dma.local [hbm:s11], $0x10  }
0x89: {  	s11 =	sld [smem:s28+$0x1];
	_ =	sdelay $0x2  }
0x8a: {  	s11 =	sshll.u32 s11, $0x4  }
0x8b: {  	s11 =	sand.u32 $0x1FFFFFF0, s11  }
0x8c: {  	s12 =	sshrl.u32 s22, $0x3;
	s11 =	sadd.s32 s3, s11  }
0x8d: {  	[spmem:s12], [sflag:s1] =	dma.local [hbm:s11], $0x10  }
0x8e: {  	s11 =	sld [smem:s0+$0x1]  }
.Ltmp0:
0x8f: {  	(pc) =	sbr.rel @p1 .LBB2_3-.Ltmp0, $4  }
0x90: {  	_ = 	snop  }
0x91: {  	s11 =	sshll.u32 s11, $0x4  }
0x92: {  	s28 =	sadd.s32 $0x4, s28;
	s11 =	sand.u32 $0x1FFFFFF0, s11  }
0x93: {  	s20 =	sshrl.u32 s20, $0x3;
	s0 =	sadd.s32 $0x4, s0;
	s22 =	sadd.s32 s4, s11  }
0x94: {  	[spmem:s20], [sflag:s1] =	dma.local [hbm:s22], $0x10  }
0x95: {  	_ =	swait.ge [sflag:s23], $0x1000  }
0x96: {  	[sflag:s23] =	ssyncset.done $0x0  }
0x97: {  	[sflag:s23] =	ssyncadd.s32 $0xFFFFF000  }
0x98: {  	_ =	swait.ge [sflag:s23], $0x1000  }
0x99: {  	[sflag:s23] =	ssyncset.done $0x0  }
0x9a: {  	s28 =	simm.s32 $0x0;
	[sflag:s23] =	ssyncadd.s32 $0xFFFFF000  }
0x9b: {  	[tilespmem:s30], [sflag:$0x2] =	stream.linear.gather [spmem:s9], $0x8000, $0x38;
	[tilespmem:$0x14A00] =	vst v63  }
0x9c: {  	v1 =	vmov s28;
	_ =	swait.ge [sflag:s21], $0x8000  }
0x9d: {  	v1 =	vshll.u32 v1, $0x7;
	[sflag:s21] =	ssyncset.done $0x0  }
0x9e: {  	v1 =	vor.u32 v0, v1;
	[sflag:s21] =	ssyncadd.s32 $0xFFFF8000  }
0x9f: {  	[tilespmem:s31], [sflag:$0x2] =	stream.linear.gather [spmem:s10], $0x8000, $0x38;
	[tilespmem:$0x14A00] =	vst v63  }
0xa0: {  	v2 =	vor.u32 $0x1, v1;
	_ =	swait.ge [sflag:s21], $0x8000  }
0xa1: {  	[sflag:s21] =	ssyncset.done $0x0  }
0xa2: {  	v3 =	vor.u32 $0x2, v1;
	[sflag:s21] =	ssyncadd.s32 $0xFFFF8000  }
0xa3: {  	v4 =	vld.idx.msk [tilespmem:v1+s31+$0x0], $0xffff  }
0xa4: {  	v6 =	vor.u32 $0x3, v1;
	v5 =	vld.idx.msk [tilespmem:v1+s30+$0x0], $0xffff  }
0xa5: {  	v7 =	vld.idx.msk [tilespmem:v2+s30+$0x0], $0xffff  }
0xa6: {  	v8 =	vor.u32 $0x4, v1;
	v2 =	vld.idx.msk [tilespmem:v2+s31+$0x0], $0xffff  }
0xa7: {  	v9 =	vld.idx.msk [tilespmem:v3+s30+$0x0], $0xffff  }
0xa8: {  	v10 =	vor.u32 $0x5, v1;
	v3 =	vld.idx.msk [tilespmem:v3+s31+$0x0], $0xffff  }
0xa9: {  	v11 =	vld.idx.msk [tilespmem:v6+s30+$0x0], $0xffff;
	v4 =	vmul.f32 v4, v5  }
0xaa: {  	v5 =	vld.idx.msk [tilespmem:v6+s31+$0x0], $0xffff;
	v6 =	vor.u32 $0x6, v1  }
0xab: {  	v12 =	vld.idx.msk [tilespmem:v8+s30+$0x0], $0xffff;
	v2 =	vmul.f32 v2, v7;
	v4 =	vadd.f32 $0.0e+00, v4  }
0xac: {  	v23 =	vor.u32 $0x7, v1;
	v7 =	vld.idx.msk [tilespmem:v8+s31+$0x0], $0xffff  }
0xad: {  	v13 =	vld.idx.msk [tilespmem:v10+s30+$0x0], $0xffff;
	v3 =	vmul.f32 v3, v9;
	v2 =	vadd.f32 v2, v4  }
0xae: {  	v24 =	vor.u32 $0x8, v1;
	v4 =	vld.idx.msk [tilespmem:v10+s31+$0x0], $0xffff  }
0xaf: {  	v25 =	vld.idx.msk [tilespmem:v6+s30+$0x0], $0xffff;
	v2 =	vadd.f32 v3, v2;
	v3 =	vmul.f32 v5, v11  }
0xb0: {  	v5 =	vld.idx.msk [tilespmem:v6+s31+$0x0], $0xffff;
	v6 =	vor.u32 $0x9, v1  }
0xb1: {  	v26 =	vld.idx.msk [tilespmem:v23+s30+$0x0], $0xffff;
	v2 =	vadd.f32 v3, v2;
	v3 =	vmul.f32 v7, v12  }
0xb2: {  	v27 =	vor.u32 $0xA, v1;
	v7 =	vld.idx.msk [tilespmem:v23+s31+$0x0], $0xffff  }
0xb3: {  	v28 =	vld.idx.msk [tilespmem:v24+s30+$0x0], $0xffff;
	v2 =	vadd.f32 v3, v2;
	v3 =	vmul.f32 v4, v13  }
0xb4: {  	v29 =	vor.u32 $0xB, v1;
	v4 =	vld.idx.msk [tilespmem:v24+s31+$0x0], $0xffff  }
0xb5: {  	v30 =	vld.idx.msk [tilespmem:v6+s30+$0x0], $0xffff;
	v2 =	vadd.f32 v3, v2;
	v3 =	vmul.f32 v5, v25  }
0xb6: {  	v5 =	vld.idx.msk [tilespmem:v6+s31+$0x0], $0xffff;
	v6 =	vor.u32 $0xC, v1  }
0xb7: {  	v31 =	vld.idx.msk [tilespmem:v27+s30+$0x0], $0xffff;
	v2 =	vadd.f32 v3, v2;
	v3 =	vmul.f32 v7, v26  }
0xb8: {  	v32 =	vor.u32 $0xD, v1;
	v7 =	vld.idx.msk [tilespmem:v27+s31+$0x0], $0xffff  }
0xb9: {  	v33 =	vld.idx.msk [tilespmem:v29+s30+$0x0], $0xffff;
	v2 =	vadd.f32 v3, v2;
	v3 =	vmul.f32 v4, v28  }
0xba: {  	v34 =	vor.u32 $0xE, v1;
	v4 =	vld.idx.msk [tilespmem:v29+s31+$0x0], $0xffff  }
0xbb: {  	v35 =	vld.idx.msk [tilespmem:v6+s30+$0x0], $0xffff;
	v2 =	vadd.f32 v3, v2;
	v3 =	vmul.f32 v5, v30  }
0xbc: {  	v5 =	vld.idx.msk [tilespmem:v6+s31+$0x0], $0xffff;
	v6 =	vor.u32 $0xF, v1  }
0xbd: {  	v36 =	vld.idx.msk [tilespmem:v32+s30+$0x0], $0xffff;
	v2 =	vadd.f32 v3, v2;
	v3 =	vmul.f32 v7, v31  }
0xbe: {  	v37 =	vor.u32 $0x10, v1;
	v7 =	vld.idx.msk [tilespmem:v32+s31+$0x0], $0xffff  }
0xbf: {  	v38 =	vld.idx.msk [tilespmem:v34+s30+$0x0], $0xffff;
	v2 =	vadd.f32 v3, v2;
	v3 =	vmul.f32 v4, v33  }
0xc0: {  	v39 =	vor.u32 $0x11, v1;
	v4 =	vld.idx.msk [tilespmem:v34+s31+$0x0], $0xffff  }
0xc1: {  	v40 =	vld.idx.msk [tilespmem:v6+s30+$0x0], $0xffff;
	v2 =	vadd.f32 v3, v2;
	v3 =	vmul.f32 v5, v35  }
0xc2: {  	v5 =	vld.idx.msk [tilespmem:v6+s31+$0x0], $0xffff;
	v6 =	vor.u32 $0x12, v1  }
0xc3: {  	v41 =	vld.idx.msk [tilespmem:v37+s30+$0x0], $0xffff;
	v2 =	vadd.f32 v3, v2;
	v3 =	vmul.f32 v7, v36  }
0xc4: {  	v42 =	vor.u32 $0x13, v1;
	v7 =	vld.idx.msk [tilespmem:v37+s31+$0x0], $0xffff  }
0xc5: {  	v43 =	vld.idx.msk [tilespmem:v39+s30+$0x0], $0xffff;
	v2 =	vadd.f32 v3, v2;
	v3 =	vmul.f32 v4, v38  }
0xc6: {  	v44 =	vor.u32 $0x14, v1;
	v4 =	vld.idx.msk [tilespmem:v39+s31+$0x0], $0xffff  }
0xc7: {  	v45 =	vld.idx.msk [tilespmem:v6+s30+$0x0], $0xffff;
	v2 =	vadd.f32 v3, v2;
	v3 =	vmul.f32 v5, v40  }
0xc8: {  	v5 =	vld.idx.msk [tilespmem:v6+s31+$0x0], $0xffff;
	v6 =	vor.u32 $0x15, v1  }
0xc9: {  	v46 =	vld.idx.msk [tilespmem:v42+s30+$0x0], $0xffff;
	v2 =	vadd.f32 v3, v2;
	v3 =	vmul.f32 v7, v41  }
0xca: {  	v47 =	vor.u32 $0x16, v1;
	v7 =	vld.idx.msk [tilespmem:v42+s31+$0x0], $0xffff  }
0xcb: {  	v48 =	vld.idx.msk [tilespmem:v44+s30+$0x0], $0xffff;
	v2 =	vadd.f32 v3, v2;
	v3 =	vmul.f32 v4, v43  }
0xcc: {  	v49 =	vor.u32 $0x17, v1;
	v4 =	vld.idx.msk [tilespmem:v44+s31+$0x0], $0xffff  }
0xcd: {  	v50 =	vld.idx.msk [tilespmem:v6+s30+$0x0], $0xffff;
	v2 =	vadd.f32 v3, v2;
	v3 =	vmul.f32 v5, v45  }
0xce: {  	v5 =	vld.idx.msk [tilespmem:v6+s31+$0x0], $0xffff;
	v6 =	vor.u32 $0x18, v1  }
0xcf: {  	v51 =	vld.idx.msk [tilespmem:v47+s30+$0x0], $0xffff;
	v2 =	vadd.f32 v3, v2;
	v3 =	vmul.f32 v7, v46  }
0xd0: {  	v52 =	vor.u32 $0x19, v1;
	v7 =	vld.idx.msk [tilespmem:v47+s31+$0x0], $0xffff  }
0xd1: {  	v53 =	vld.idx.msk [tilespmem:v49+s30+$0x0], $0xffff;
	v2 =	vadd.f32 v3, v2;
	v3 =	vmul.f32 v4, v48  }
0xd2: {  	v54 =	vor.u32 $0x1A, v1;
	v4 =	vld.idx.msk [tilespmem:v49+s31+$0x0], $0xffff  }
0xd3: {  	v55 =	vld.idx.msk [tilespmem:v6+s30+$0x0], $0xffff;
	v2 =	vadd.f32 v3, v2;
	v3 =	vmul.f32 v5, v50  }
0xd4: {  	v5 =	vld.idx.msk [tilespmem:v6+s31+$0x0], $0xffff;
	v6 =	vor.u32 $0x1B, v1  }
0xd5: {  	v56 =	vld.idx.msk [tilespmem:v52+s30+$0x0], $0xffff;
	v2 =	vadd.f32 v3, v2;
	v3 =	vmul.f32 v7, v51  }
0xd6: {  	v57 =	vor.u32 $0x1C, v1;
	v7 =	vld.idx.msk [tilespmem:v52+s31+$0x0], $0xffff  }
0xd7: {  	v58 =	vld.idx.msk [tilespmem:v54+s30+$0x0], $0xffff;
	v2 =	vadd.f32 v3, v2;
	v3 =	vmul.f32 v4, v53  }
0xd8: {  	v4 =	vld.idx.msk [tilespmem:v54+s31+$0x0], $0xffff  }
0xd9: {  	v60 =	vld.idx.msk [tilespmem:v6+s30+$0x0], $0xffff;
	v2 =	vadd.f32 v3, v2;
	v3 =	vmul.f32 v5, v55  }
0xda: {  	v59 =	vor.u32 $0x1D, v1;
	v5 =	vld.idx.msk [tilespmem:v6+s31+$0x0], $0xffff  }
0xdb: {  	v61 =	vld.idx.msk [tilespmem:v57+s30+$0x0], $0xffff;
	v2 =	vadd.f32 v3, v2;
	v3 =	vmul.f32 v7, v56  }
0xdc: {  	v6 =	vor.u32 $0x1E, v1;
	v7 =	vld.idx.msk [tilespmem:v57+s31+$0x0], $0xffff  }
0xdd: {  	v2 =	vadd.f32 v3, v2;
	v3 =	vmul.f32 v4, v58  }
0xde: {  	v1 =	vor.u32 $0x1F, v1  }
0xdf: {  	v62 =	vld.idx.msk [tilespmem:v59+s30+$0x0], $0xffff;
	v2 =	vadd.f32 v3, v2;
	v3 =	vmul.f32 v5, v60  }
0xe0: {  	v4 =	vld.idx.msk [tilespmem:v59+s31+$0x0], $0xffff  }
0xe1: {  	v63 =	vld.idx.msk [tilespmem:v6+s30+$0x0], $0xffff;
	v2 =	vadd.f32 v3, v2;
	v3 =	vmul.f32 v7, v61  }
0xe2: {  	v5 =	vld.idx.msk [tilespmem:v6+s31+$0x0], $0xffff  }
0xe3: {  	v6 =	vadd.f32 v3, v2;
	v2 =	vld.idx.msk [tilespmem:v1+s30+$0x0], $0xffff  }
0xe4: {  	v3 =	vld.idx.msk [tilespmem:v1+s31+$0x0], $0xffff  }
0xe5: {  	v4 =	vmul.f32 v4, v62  }
0xe6: {  	s26 =	simm.s32 $0x10  }
0xe7: {  	v7 =	vmov s26;
	v5 =	vmul.f32 v5, v63;
	v4 =	vadd.f32 v4, v6  }
0xe8: {  	s29 =	sadd.s32 $0x14800, s29;
	s1 =	simm.s32 $0x20;
	v1 =	vshll.u32 v7, $0x7  }
.LBB2_5:
0xe9: {  	p1 =	sne.s32 s1, $0xF0;
	v1 =	vor.u32 v0, v1;
	v4 =	vadd.f32 v5, v4;
	v2 =	vmul.f32 v3, v2  }
0xea: {  	s0 =	sand.u32 $0x80, s28  }
0xeb: {  	s11 =	sand.u32 $0x70, s28;
	s28 =	smov.u32 s26;
	v3 =	vor.u32 $0x1, v1;
	s0 =	sadd.s32 s0, s29;
	v2 =	vadd.f32 v2, v4  }
0xec: {  	s26 =	smov.u32 s1;
	s0 =	sadd.s32 s11, s0  }
0xed: {  	v4 =	vor.u32 $0x2, v1;
	[tilespmem:s0+$0x0] =	vst v2  }
0xee: {  	v2 =	vld.idx.msk [tilespmem:v1+s31+$0x0], $0xffff  }
0xef: {  	v6 =	vor.u32 $0x3, v1;
	v5 =	vld.idx.msk [tilespmem:v1+s30+$0x0], $0xffff  }
0xf0: {  	v7 =	vld.idx.msk [tilespmem:v3+s30+$0x0], $0xffff  }
0xf1: {  	v8 =	vor.u32 $0x4, v1;
	v3 =	vld.idx.msk [tilespmem:v3+s31+$0x0], $0xffff  }
0xf2: {  	v9 =	vld.idx.msk [tilespmem:v4+s30+$0x0], $0xffff  }
0xf3: {  	v10 =	vor.u32 $0x5, v1;
	v4 =	vld.idx.msk [tilespmem:v4+s31+$0x0], $0xffff  }
0xf4: {  	v11 =	vld.idx.msk [tilespmem:v6+s30+$0x0], $0xffff  }
0xf5: {  	v2 =	vmul.f32 v2, v5;
	v5 =	vld.idx.msk [tilespmem:v6+s31+$0x0], $0xffff;
	v6 =	vor.u32 $0x6, v1  }
0xf6: {  	v12 =	vld.idx.msk [tilespmem:v8+s30+$0x0], $0xffff  }
0xf7: {  	v2 =	vadd.f32 $0.0e+00, v2;
	v3 =	vmul.f32 v3, v7;
	v7 =	vld.idx.msk [tilespmem:v8+s31+$0x0], $0xffff;
	v8 =	vor.u32 $0x7, v1  }
0xf8: {  	v13 =	vld.idx.msk [tilespmem:v10+s30+$0x0], $0xffff  }
0xf9: {  	v2 =	vadd.f32 v3, v2;
	v3 =	vmul.f32 v4, v9;
	v9 =	vor.u32 $0x8, v1;
	v4 =	vld.idx.msk [tilespmem:v10+s31+$0x0], $0xffff  }
0xfa: {  	v10 =	vld.idx.msk [tilespmem:v6+s30+$0x0], $0xffff  }
0xfb: {  	v2 =	vadd.f32 v3, v2;
	v3 =	vmul.f32 v5, v11;
	v5 =	vld.idx.msk [tilespmem:v6+s31+$0x0], $0xffff;
	v6 =	vor.u32 $0x9, v1  }
0xfc: {  	v11 =	vld.idx.msk [tilespmem:v8+s30+$0x0], $0xffff  }
0xfd: {  	v2 =	vadd.f32 v3, v2;
	v3 =	vmul.f32 v7, v12;
	v7 =	vld.idx.msk [tilespmem:v8+s31+$0x0], $0xffff;
	v8 =	vor.u32 $0xA, v1  }
0xfe: {  	v12 =	vld.idx.msk [tilespmem:v9+s30+$0x0], $0xffff  }
0xff: {  	v2 =	vadd.f32 v3, v2;
	v3 =	vmul.f32 v4, v13;
	v4 =	vld.idx.msk [tilespmem:v9+s31+$0x0], $0xffff;
	v9 =	vor.u32 $0xB, v1  }
0x100: {  	v13 =	vld.idx.msk [tilespmem:v6+s30+$0x0], $0xffff  }
0x101: {  	v2 =	vadd.f32 v3, v2;
	v3 =	vmul.f32 v5, v10;
	v5 =	vld.idx.msk [tilespmem:v6+s31+$0x0], $0xffff;
	v6 =	vor.u32 $0xC, v1  }
0x102: {  	v10 =	vld.idx.msk [tilespmem:v8+s30+$0x0], $0xffff  }
0x103: {  	v2 =	vadd.f32 v3, v2;
	v3 =	vmul.f32 v7, v11;
	v7 =	vld.idx.msk [tilespmem:v8+s31+$0x0], $0xffff;
	v8 =	vor.u32 $0xD, v1  }
0x104: {  	v11 =	vld.idx.msk [tilespmem:v9+s30+$0x0], $0xffff  }
0x105: {  	v2 =	vadd.f32 v3, v2;
	v3 =	vmul.f32 v4, v12;
	v4 =	vld.idx.msk [tilespmem:v9+s31+$0x0], $0xffff;
	v9 =	vor.u32 $0xE, v1  }
0x106: {  	v12 =	vld.idx.msk [tilespmem:v6+s30+$0x0], $0xffff  }
0x107: {  	v2 =	vadd.f32 v3, v2;
	v3 =	vmul.f32 v5, v13;
	v5 =	vld.idx.msk [tilespmem:v6+s31+$0x0], $0xffff;
	v6 =	vor.u32 $0xF, v1  }
0x108: {  	v13 =	vld.idx.msk [tilespmem:v8+s30+$0x0], $0xffff  }
0x109: {  	v2 =	vadd.f32 v3, v2;
	v3 =	vmul.f32 v7, v10;
	v7 =	vld.idx.msk [tilespmem:v8+s31+$0x0], $0xffff;
	v8 =	vor.u32 $0x10, v1  }
0x10a: {  	v10 =	vld.idx.msk [tilespmem:v9+s30+$0x0], $0xffff  }
0x10b: {  	v2 =	vadd.f32 v3, v2;
	v3 =	vmul.f32 v4, v11;
	v4 =	vld.idx.msk [tilespmem:v9+s31+$0x0], $0xffff;
	v9 =	vor.u32 $0x11, v1  }
0x10c: {  	v11 =	vld.idx.msk [tilespmem:v6+s30+$0x0], $0xffff  }
0x10d: {  	v2 =	vadd.f32 v3, v2;
	v3 =	vmul.f32 v5, v12;
	v5 =	vld.idx.msk [tilespmem:v6+s31+$0x0], $0xffff;
	v6 =	vor.u32 $0x12, v1  }
0x10e: {  	v12 =	vld.idx.msk [tilespmem:v8+s30+$0x0], $0xffff  }
0x10f: {  	v2 =	vadd.f32 v3, v2;
	v3 =	vmul.f32 v7, v13;
	v7 =	vld.idx.msk [tilespmem:v8+s31+$0x0], $0xffff;
	v8 =	vor.u32 $0x13, v1  }
0x110: {  	v13 =	vld.idx.msk [tilespmem:v9+s30+$0x0], $0xffff  }
0x111: {  	v2 =	vadd.f32 v3, v2;
	v3 =	vmul.f32 v4, v10;
	v4 =	vld.idx.msk [tilespmem:v9+s31+$0x0], $0xffff;
	v9 =	vor.u32 $0x14, v1  }
0x112: {  	v10 =	vld.idx.msk [tilespmem:v6+s30+$0x0], $0xffff  }
0x113: {  	v2 =	vadd.f32 v3, v2;
	v3 =	vmul.f32 v5, v11;
	v5 =	vld.idx.msk [tilespmem:v6+s31+$0x0], $0xffff;
	v6 =	vor.u32 $0x15, v1  }
0x114: {  	v11 =	vld.idx.msk [tilespmem:v8+s30+$0x0], $0xffff  }
0x115: {  	v2 =	vadd.f32 v3, v2;
	v3 =	vmul.f32 v7, v12;
	v7 =	vld.idx.msk [tilespmem:v8+s31+$0x0], $0xffff;
	v8 =	vor.u32 $0x16, v1  }
0x116: {  	v12 =	vld.idx.msk [tilespmem:v9+s30+$0x0], $0xffff  }
0x117: {  	v2 =	vadd.f32 v3, v2;
	v3 =	vmul.f32 v4, v13;
	v4 =	vld.idx.msk [tilespmem:v9+s31+$0x0], $0xffff;
	v9 =	vor.u32 $0x17, v1  }
0x118: {  	v13 =	vld.idx.msk [tilespmem:v6+s30+$0x0], $0xffff  }
0x119: {  	v2 =	vadd.f32 v3, v2;
	v3 =	vmul.f32 v5, v10;
	v5 =	vld.idx.msk [tilespmem:v6+s31+$0x0], $0xffff;
	v6 =	vor.u32 $0x18, v1  }
0x11a: {  	v10 =	vld.idx.msk [tilespmem:v8+s30+$0x0], $0xffff  }
0x11b: {  	v2 =	vadd.f32 v3, v2;
	v3 =	vmul.f32 v7, v11;
	v7 =	vld.idx.msk [tilespmem:v8+s31+$0x0], $0xffff;
	v8 =	vor.u32 $0x19, v1  }
0x11c: {  	v11 =	vld.idx.msk [tilespmem:v9+s30+$0x0], $0xffff  }
0x11d: {  	v2 =	vadd.f32 v3, v2;
	v3 =	vmul.f32 v4, v12;
	v4 =	vld.idx.msk [tilespmem:v9+s31+$0x0], $0xffff;
	v9 =	vor.u32 $0x1A, v1  }
0x11e: {  	v12 =	vld.idx.msk [tilespmem:v6+s30+$0x0], $0xffff  }
0x11f: {  	v2 =	vadd.f32 v3, v2;
	v3 =	vmul.f32 v5, v13;
	v5 =	vld.idx.msk [tilespmem:v6+s31+$0x0], $0xffff;
	v6 =	vor.u32 $0x1B, v1  }
0x120: {  	v13 =	vld.idx.msk [tilespmem:v8+s30+$0x0], $0xffff  }
0x121: {  	v2 =	vadd.f32 v3, v2;
	v3 =	vmul.f32 v7, v10;
	v7 =	vld.idx.msk [tilespmem:v8+s31+$0x0], $0xffff;
	v8 =	vor.u32 $0x1C, v1  }
0x122: {  	v10 =	vld.idx.msk [tilespmem:v9+s30+$0x0], $0xffff  }
0x123: {  	v2 =	vadd.f32 v3, v2;
	v3 =	vmul.f32 v4, v11;
	v4 =	vld.idx.msk [tilespmem:v9+s31+$0x0], $0xffff;
	v9 =	vor.u32 $0x1D, v1  }
0x124: {  	v11 =	vld.idx.msk [tilespmem:v6+s30+$0x0], $0xffff  }
0x125: {  	v2 =	vadd.f32 v3, v2;
	v3 =	vmul.f32 v5, v12;
	v5 =	vld.idx.msk [tilespmem:v6+s31+$0x0], $0xffff;
	v6 =	vor.u32 $0x1E, v1  }
0x126: {  	v12 =	vld.idx.msk [tilespmem:v8+s30+$0x0], $0xffff  }
0x127: {  	v1 =	vor.u32 $0x1F, v1;
	v2 =	vadd.f32 v3, v2;
	v3 =	vmul.f32 v7, v13;
	v7 =	vld.idx.msk [tilespmem:v8+s31+$0x0], $0xffff  }
0x128: {  	v8 =	vld.idx.msk [tilespmem:v9+s30+$0x0], $0xffff  }
0x129: {  	v2 =	vadd.f32 v3, v2;
	v3 =	vmul.f32 v4, v10;
	v4 =	vld.idx.msk [tilespmem:v9+s31+$0x0], $0xffff  }
0x12a: {  	v9 =	vld.idx.msk [tilespmem:v6+s30+$0x0], $0xffff  }
0x12b: {  	v3 =	vadd.f32 v3, v2;
	v5 =	vmul.f32 v5, v11;
	v6 =	vld.idx.msk [tilespmem:v6+s31+$0x0], $0xffff  }
0x12c: {  	v2 =	vld.idx.msk [tilespmem:v1+s30+$0x0], $0xffff  }
0x12d: {  	v5 =	vadd.f32 v5, v3;
	v7 =	vmul.f32 v7, v12;
	v3 =	vld.idx.msk [tilespmem:v1+s31+$0x0], $0xffff  }
.Ltmp1:
0x12e: {  	(pc) =	sbr.rel @p1 .LBB2_5-.Ltmp1, $3  }
0x12f: {  	v1 =	vadd.f32 v7, v5;
	v4 =	vmul.f32 v4, v8;
	_ =	sdelay $0x1  }
0x130: {  	v7 =	vmov s1;
	v4 =	vadd.f32 v4, v1;
	v5 =	vmul.f32 v6, v9  }
0x131: {  	s1 =	sadd.s32 $0x10, s1;
	v1 =	vshll.u32 v7, $0x7  }
0x132: {  	v1 =	vor.u32 v0, v1;
	v4 =	vadd.f32 v5, v4;
	v2 =	vmul.f32 v3, v2  }
0x133: {  	s0 =	sand.u32 $0x80, s28  }
0x134: {  	s1 =	sand.u32 $0x70, s28;
	v3 =	vor.u32 $0x1, v1;
	s0 =	sadd.s32 s0, s29;
	v2 =	vadd.f32 v2, v4  }
0x135: {  	s0 =	sadd.s32 s1, s0  }
0x136: {  	v31 =	vor.u32 $0x2, v1;
	[tilespmem:s0+$0x0] =	vst v2  }
0x137: {  	v2 =	vld.idx.msk [tilespmem:v1+s31+$0x0], $0xffff  }
0x138: {  	v6 =	vor.u32 $0x3, v1;
	v32 =	vld.idx.msk [tilespmem:v1+s30+$0x0], $0xffff  }
0x139: {  	v7 =	vld.idx.msk [tilespmem:v3+s30+$0x0], $0xffff  }
0x13a: {  	v8 =	vor.u32 $0x4, v1;
	v3 =	vld.idx.msk [tilespmem:v3+s31+$0x0], $0xffff  }
0x13b: {  	v9 =	vld.idx.msk [tilespmem:v31+s30+$0x0], $0xffff  }
0x13c: {  	v10 =	vor.u32 $0x5, v1;
	v4 =	vld.idx.msk [tilespmem:v31+s31+$0x0], $0xffff  }
0x13d: {  	v11 =	vld.idx.msk [tilespmem:v6+s30+$0x0], $0xffff;
	v2 =	vmul.f32 v2, v32  }
0x13e: {  	v34 =	vor.u32 $0x6, v1;
	v33 =	vld.idx.msk [tilespmem:v6+s31+$0x0], $0xffff  }
0x13f: {  	v12 =	vld.idx.msk [tilespmem:v8+s30+$0x0], $0xffff;
	v3 =	vmul.f32 v3, v7;
	v2 =	vadd.f32 $0.0e+00, v2  }
0x140: {  	v36 =	vor.u32 $0x7, v1;
	v35 =	vld.idx.msk [tilespmem:v8+s31+$0x0], $0xffff  }
0x141: {  	v13 =	vld.idx.msk [tilespmem:v10+s30+$0x0], $0xffff;
	v2 =	vadd.f32 v3, v2;
	v3 =	vmul.f32 v4, v9  }
0x142: {  	v38 =	vor.u32 $0x8, v1;
	v37 =	vld.idx.msk [tilespmem:v10+s31+$0x0], $0xffff  }
0x143: {  	v39 =	vld.idx.msk [tilespmem:v34+s30+$0x0], $0xffff;
	v2 =	vadd.f32 v3, v2;
	v3 =	vmul.f32 v33, v11  }
0x144: {  	v41 =	vor.u32 $0x9, v1;
	v40 =	vld.idx.msk [tilespmem:v34+s31+$0x0], $0xffff  }
0x145: {  	v42 =	vld.idx.msk [tilespmem:v36+s30+$0x0], $0xffff;
	v2 =	vadd.f32 v3, v2;
	v3 =	vmul.f32 v35, v12  }
0x146: {  	v44 =	vor.u32 $0xA, v1;
	v43 =	vld.idx.msk [tilespmem:v36+s31+$0x0], $0xffff  }
0x147: {  	v45 =	vld.idx.msk [tilespmem:v38+s30+$0x0], $0xffff;
	v2 =	vadd.f32 v3, v2;
	v3 =	vmul.f32 v37, v13  }
0x148: {  	v47 =	vor.u32 $0xB, v1;
	v46 =	vld.idx.msk [tilespmem:v38+s31+$0x0], $0xffff  }
0x149: {  	v48 =	vld.idx.msk [tilespmem:v41+s30+$0x0], $0xffff;
	v2 =	vadd.f32 v3, v2;
	v3 =	vmul.f32 v40, v39  }
0x14a: {  	v50 =	vor.u32 $0xC, v1;
	v49 =	vld.idx.msk [tilespmem:v41+s31+$0x0], $0xffff  }
0x14b: {  	v51 =	vld.idx.msk [tilespmem:v44+s30+$0x0], $0xffff;
	v2 =	vadd.f32 v3, v2;
	v3 =	vmul.f32 v43, v42  }
0x14c: {  	v53 =	vor.u32 $0xD, v1;
	v52 =	vld.idx.msk [tilespmem:v44+s31+$0x0], $0xffff  }
0x14d: {  	v54 =	vld.idx.msk [tilespmem:v47+s30+$0x0], $0xffff;
	v2 =	vadd.f32 v3, v2;
	v3 =	vmul.f32 v46, v45  }
0x14e: {  	v56 =	vor.u32 $0xE, v1;
	v55 =	vld.idx.msk [tilespmem:v47+s31+$0x0], $0xffff  }
0x14f: {  	v57 =	vld.idx.msk [tilespmem:v50+s30+$0x0], $0xffff;
	v2 =	vadd.f32 v3, v2;
	v3 =	vmul.f32 v49, v48  }
0x150: {  	v59 =	vor.u32 $0xF, v1;
	v58 =	vld.idx.msk [tilespmem:v50+s31+$0x0], $0xffff  }
0x151: {  	v60 =	vld.idx.msk [tilespmem:v53+s30+$0x0], $0xffff;
	v2 =	vadd.f32 v3, v2;
	v3 =	vmul.f32 v52, v51  }
0x152: {  	v62 =	vor.u32 $0x10, v1;
	v61 =	vld.idx.msk [tilespmem:v53+s31+$0x0], $0xffff  }
0x153: {  	v63 =	vld.idx.msk [tilespmem:v56+s30+$0x0], $0xffff;
	v2 =	vadd.f32 v3, v2;
	v3 =	vmul.f32 v55, v54  }
0x154: {  	v17 =	vor.u32 $0x11, v1;
	v16 =	vld.idx.msk [tilespmem:v56+s31+$0x0], $0xffff  }
0x155: {  	v18 =	vld.idx.msk [tilespmem:v59+s30+$0x0], $0xffff;
	v2 =	vadd.f32 v3, v2;
	v3 =	vmul.f32 v58, v57  }
0x156: {  	v20 =	vor.u32 $0x12, v1;
	v19 =	vld.idx.msk [tilespmem:v59+s31+$0x0], $0xffff  }
0x157: {  	v21 =	vld.idx.msk [tilespmem:v62+s30+$0x0], $0xffff;
	v2 =	vadd.f32 v3, v2;
	v3 =	vmul.f32 v61, v60  }
0x158: {  	v23 =	vor.u32 $0x13, v1;
	v22 =	vld.idx.msk [tilespmem:v62+s31+$0x0], $0xffff  }
0x159: {  	v24 =	vld.idx.msk [tilespmem:v17+s30+$0x0], $0xffff;
	v2 =	vadd.f32 v3, v2;
	v3 =	vmul.f32 v16, v63  }
0x15a: {  	v26 =	vor.u32 $0x14, v1;
	v25 =	vld.idx.msk [tilespmem:v17+s31+$0x0], $0xffff  }
0x15b: {  	v27 =	vld.idx.msk [tilespmem:v20+s30+$0x0], $0xffff;
	v2 =	vadd.f32 v3, v2;
	v3 =	vmul.f32 v19, v18  }
0x15c: {  	v29 =	vor.u32 $0x15, v1;
	v28 =	vld.idx.msk [tilespmem:v20+s31+$0x0], $0xffff  }
0x15d: {  	v30 =	vld.idx.msk [tilespmem:v23+s30+$0x0], $0xffff;
	v2 =	vadd.f32 v3, v2;
	v3 =	vmul.f32 v22, v21  }
0x15e: {  	v31 =	vld.idx.msk [tilespmem:v23+s31+$0x0], $0xffff;
	v32 =	vor.u32 $0x16, v1  }
0x15f: {  	v34 =	vld.idx.msk [tilespmem:v26+s31+$0x0], $0xffff;
	v2 =	vadd.f32 v3, v2;
	v3 =	vmul.f32 v25, v24  }
0x160: {  	v33 =	vld.idx.msk [tilespmem:v26+s30+$0x0], $0xffff;
	v35 =	vor.u32 $0x17, v1  }
0x161: {  	v36 =	vld.idx.msk [tilespmem:v29+s30+$0x0], $0xffff;
	v2 =	vadd.f32 v3, v2;
	v3 =	vmul.f32 v28, v27  }
0x162: {  	v38 =	vor.u32 $0x18, v1;
	v37 =	vld.idx.msk [tilespmem:v29+s31+$0x0], $0xffff  }
0x163: {  	v39 =	vld.idx.msk [tilespmem:v32+s30+$0x0], $0xffff;
	v2 =	vadd.f32 v3, v2;
	v3 =	vmul.f32 v31, v30  }
0x164: {  	v41 =	vor.u32 $0x19, v1;
	v40 =	vld.idx.msk [tilespmem:v32+s31+$0x0], $0xffff  }
0x165: {  	v42 =	vld.idx.msk [tilespmem:v35+s30+$0x0], $0xffff;
	v2 =	vadd.f32 v3, v2;
	v3 =	vmul.f32 v34, v33  }
0x166: {  	v44 =	vor.u32 $0x1A, v1;
	v43 =	vld.idx.msk [tilespmem:v35+s31+$0x0], $0xffff  }
0x167: {  	v45 =	vld.idx.msk [tilespmem:v38+s30+$0x0], $0xffff;
	v2 =	vadd.f32 v3, v2;
	v3 =	vmul.f32 v37, v36  }
0x168: {  	v47 =	vor.u32 $0x1B, v1;
	v46 =	vld.idx.msk [tilespmem:v38+s31+$0x0], $0xffff  }
0x169: {  	v48 =	vld.idx.msk [tilespmem:v41+s30+$0x0], $0xffff;
	v2 =	vadd.f32 v3, v2;
	v3 =	vmul.f32 v40, v39  }
0x16a: {  	v50 =	vor.u32 $0x1C, v1;
	v49 =	vld.idx.msk [tilespmem:v41+s31+$0x0], $0xffff  }
0x16b: {  	v51 =	vld.idx.msk [tilespmem:v44+s30+$0x0], $0xffff;
	v2 =	vadd.f32 v3, v2;
	v3 =	vmul.f32 v43, v42  }
0x16c: {  	v53 =	vor.u32 $0x1D, v1;
	v52 =	vld.idx.msk [tilespmem:v44+s31+$0x0], $0xffff  }
0x16d: {  	v54 =	vld.idx.msk [tilespmem:v47+s30+$0x0], $0xffff;
	v2 =	vadd.f32 v3, v2;
	v3 =	vmul.f32 v46, v45  }
0x16e: {  	v56 =	vor.u32 $0x1E, v1;
	v55 =	vld.idx.msk [tilespmem:v47+s31+$0x0], $0xffff  }
0x16f: {  	v57 =	vld.idx.msk [tilespmem:v50+s30+$0x0], $0xffff;
	v2 =	vadd.f32 v3, v2;
	v3 =	vmul.f32 v49, v48  }
0x170: {  	v1 =	vor.u32 $0x1F, v1;
	v58 =	vld.idx.msk [tilespmem:v50+s31+$0x0], $0xffff  }
0x171: {  	v59 =	vld.idx.msk [tilespmem:v53+s30+$0x0], $0xffff;
	v2 =	vadd.f32 v3, v2;
	v3 =	vmul.f32 v52, v51  }
0x172: {  	v60 =	vld.idx.msk [tilespmem:v53+s31+$0x0], $0xffff  }
0x173: {  	v62 =	vld.idx.msk [tilespmem:v56+s31+$0x0], $0xffff;
	v2 =	vadd.f32 v3, v2;
	v3 =	vmul.f32 v55, v54  }
0x174: {  	v61 =	vld.idx.msk [tilespmem:v56+s30+$0x0], $0xffff  }
0x175: {  	v63 =	vld.idx.msk [tilespmem:v1+s30+$0x0], $0xffff;
	v2 =	vadd.f32 v3, v2;
	v3 =	vmul.f32 v58, v57  }
0x176: {  	v1 =	vld.idx.msk [tilespmem:v1+s31+$0x0], $0xffff  }
0x177: {  	v2 =	vadd.f32 v3, v2;
	v3 =	vmul.f32 v60, v59;
	_ =	sdelay $0x1  }
0x178: {  	v2 =	vadd.f32 v3, v2;
	v3 =	vmul.f32 v62, v61;
	_ =	sdelay $0x1  }
.Ltmp2:
0x179: {  	v1 =	vmul.f32 v1, v63;
	v2 =	vadd.f32 v3, v2;
	(pc) =	sbr.rel @p0 .LBB2_2-.Ltmp2, $4  }
0x17a: {  	s22 =	sand.u32 $0x80, s26  }
0x17b: {  	s28 =	sand.u32 $0x70, s26;
	s0 =	sadd.s32 s22, s29;
	v1 =	vadd.f32 v1, v2  }
0x17c: {  	s0 =	sadd.s32 s28, s0  }
0x17d: {  	p1 =	por $0x0, $0x0;
	[tilespmem:s0+$0x0] =	vst v1;
	s0 =	simm.s32 $0x1  }
0x17e: {  	s0 =	rddreg [dreg:$0x7];
	s1 =	simm.s32 $0x14800  }
0x17f: {  	[hbm4b:s0+s2] =	stream.linear.scatter [tilespmem:s1], [sflag:$0x2], $0x200, $0x38;
	[tilespmem:$0x14A00] =	vst v63  }
0x180: {  	_ =	swait.ge [sflag:s21], $0x200  }
0x181: {  	s24 =	sadd.s32 $0x1, s24;
	s29 =	rddreg [dreg:$0x8]  }
0x182: {  	p0 =	sne.s32 s24, s29  }
.Ltmp3:
0x183: {  	_ = 	snop;
	(pc) =	sbr.rel @p0 .LBB2_1-.Ltmp3, $3  }
0x184: {  	_ =	sdelay $0x1  }
0x185: {  	[sflag:s21] =	ssyncset.done $0x0  }
0x186: {  	[sflag:s21] =	ssyncadd.s32 $0xFFFFFE00  }
0x187: {  	_ =	sfence.sel $0x180000  }
0x188: {  	[bflag:$0x0] =	sbarrier.arrive $0xFFFF  }
0x189: {  	_ =	strace $0x90000047  }
0x18a: {  	s0 =	stileid.u32;
	[bflag:$0x2] =	sbarrier.arrive $0xFFFF  }
0x18b: {  	p0 =	sne.s32 s0, $0x0;
	s0 =	rddreg [dreg:$0x6]  }
0x18c: {  	s0 =	sadd.s32 @!p0 $0x100000, s0  }
0x18d: {  	[sflag:s0] =	ssyncadd.tile.s32 @!p0 $0x1;
	_ =	shalt  }
.Lfunc_end2:
_tile_overlayer_lowered:
.L_overlay_start_2:
0x18e: {  	(tag) =	ssettag $0x2  }
0x18f: {  	s0 =	rddreg [dreg:$0x0];
	s2 =	stileid.u32  }
0x190: {  	s1 =	rddreg [dreg:$0x1];
	p0 =	sne.s32 s2, $0x0  }
0x191: {  	s3 =	rddreg [dreg:$0x2];
	[bflag:$0x3] =	sbarrier.arrive $0xFFFF;
	s2 =	simm.s32 @!p0 $0x1C02  }
0x192: {  	[timem:s3], [sflag:s2] =	dma.local @!p0 [hbm:s0], s1  }
0x193: {  	s0 =	simm.s32 @!p0 $0x2  }
0x194: {  	_ =	swait.ge @!p0 [sflag:s0], s1  }
0x195: {  	s1 =	ssub.s32 @!p0 $0x0, s1;
	[sflag:s0] =	ssyncset.done @!p0 $0x0  }
0x196: {  	[sflag:s0] =	ssyncadd.s32 @!p0 s1  }
0x197: {  	[bflag:$0x3] =	sbarrier.arrive $0xFFFF  }
0x198: {  	_ =	shalt  }

</sc_bundles>
